<compile_context>
chip_gen: v7x
topology: tpu7x:2x2x1
jax: 0.10.2.dev20260603
libtpu: 0.0.44.dev20260713+nightly
codegen_flags: <defaults>
</compile_context>

<pallas_src>
import functools

import jax
import jax.numpy as jnp
from jax import lax
from jax.experimental import pallas as pl
from jax.experimental.pallas import tpu as pltpu
from jax.experimental.pallas import tpu_sc as plsc

HIDDEN = 128
MAX_UTE = 64
N_POS = 200
NC, NS = 2, 16
NW = NC * NS
CHUNK = 128
NBUF = 5


def _make_sc_lookup(n_tok):
    assert n_tok % (NW * CHUNK) == 0
    tok_per_w = n_tok // NW
    n_chunk = tok_per_w // CHUNK
    assert n_chunk > 2 * NBUF
    mesh = plsc.VectorSubcoreMesh(
        core_axis_name="c", subcore_axis_name="s",
        num_cores=NC, num_subcores=NS)

    @functools.partial(
        pl.kernel,
        mesh=mesh,
        out_type=jax.ShapeDtypeStruct((n_tok, HIDDEN), jnp.float32),
        scratch_types=(
            [pltpu.VMEM((CHUNK,), jnp.int32)] * NBUF
            + [pltpu.VMEM((CHUNK,), jnp.int32)] * NBUF
            + [pltpu.VMEM((CHUNK,), jnp.int32)] * NBUF
            + [pltpu.VMEM((CHUNK, HIDDEN), jnp.float32)] * NBUF
            + [pltpu.SemaphoreType.DMA] * NBUF
            + [pltpu.SemaphoreType.DMA] * NBUF
            + [pltpu.VMEM_SHARED((N_POS, HIDDEN), jnp.float32),
               pltpu.VMEM_SHARED((MAX_UTE, HIDDEN), jnp.float32)]
        ),
    )
    def sc_lookup(widx_hbm, pidx_hbm, uidx_hbm, word_hbm, pos_hbm, ute_hbm,
                  out_hbm, *scratch):
        ixw = scratch[0:NBUF]
        ixp = scratch[NBUF:2 * NBUF]
        ixu = scratch[2 * NBUF:3 * NBUF]
        rows = scratch[3 * NBUF:4 * NBUF]
        dsem = scratch[4 * NBUF:5 * NBUF]
        isem = scratch[5 * NBUF:6 * NBUF]
        pos_tab = scratch[6 * NBUF]
        ute_tab = scratch[6 * NBUF + 1]

        sid = lax.axis_index("s")
        wid = sid * NC + lax.axis_index("c")
        base = wid * tok_per_w

        @pl.when(sid == 0)
        def _stage_tables():
            pltpu.sync_copy(pos_hbm.at[pl.ds(0, N_POS)], pos_tab)
            pltpu.sync_copy(ute_hbm, ute_tab)
        plsc.subcore_barrier()

        def stage_i(j, b, free_wait):
            if free_wait:
                pltpu.make_async_copy(
                    rows[b], out_hbm.at[pl.ds(0, CHUNK)], dsem[b]).wait()
            off = base + j * CHUNK
            pltpu.async_copy(widx_hbm.at[pl.ds(off, CHUNK)], ixw[b], isem[b])
            pltpu.async_copy(pidx_hbm.at[pl.ds(off, CHUNK)], ixp[b], isem[b])
            pltpu.async_copy(uidx_hbm.at[pl.ds(off, CHUNK)], ixu[b], isem[b])

        def stage_w(b):
            pltpu.make_async_copy(
                widx_hbm.at[pl.ds(0, CHUNK)], ixw[b], isem[b]).wait()
            pltpu.make_async_copy(
                pidx_hbm.at[pl.ds(0, CHUNK)], ixp[b], isem[b]).wait()
            pltpu.make_async_copy(
                uidx_hbm.at[pl.ds(0, CHUNK)], ixu[b], isem[b]).wait()
            pltpu.async_copy(word_hbm.at[ixw[b]], rows[b], dsem[b])

        def stage_a(b):
            pltpu.make_async_copy(
                word_hbm.at[ixw[b]], rows[b], dsem[b]).wait()
            pltpu.async_copy(pos_tab.at[ixp[b]], rows[b], dsem[b], add=True)
            pltpu.async_copy(ute_tab.at[ixu[b]], rows[b], dsem[b], add=True)

        def stage_o(j, b):
            pltpu.make_async_copy(
                pos_tab.at[ixp[b]], rows[b], dsem[b]).wait()
            pltpu.make_async_copy(
                ute_tab.at[ixu[b]], rows[b], dsem[b]).wait()
            off = base + j * CHUNK
            pltpu.async_copy(rows[b], out_hbm.at[pl.ds(off, CHUNK)], dsem[b])

        def iteration(i, free_wait=True):
            if i + 3 < n_chunk:
                stage_i(i + 3, (i + 3) % NBUF, free_wait and i + 3 >= NBUF)
            if 0 <= i + 2 < n_chunk:
                stage_w((i + 2) % NBUF)
            if 0 <= i + 1 < n_chunk:
                stage_a((i + 1) % NBUF)
            if 0 <= i < n_chunk:
                stage_o(i, i % NBUF)

        for i in range(-3, NBUF - 3):
            iteration(i)

        n_grp = (n_chunk - NBUF) // NBUF

        def group(g, carry):
            i0 = NBUF - 3 + g * NBUF
            for k in range(NBUF):
                i = i0 + k
                stage_i(i + 3, k, True)
                stage_w((k - 1) % NBUF)
                stage_a((k - 2) % NBUF)
                stage_o(i, (k - 3) % NBUF)
            return carry

        lax.fori_loop(0, n_grp, group, 0)

        for i in range(NBUF - 3 + n_grp * NBUF, n_chunk):
            iteration(i)

        for b in range(NBUF):
            pltpu.make_async_copy(
                rows[b], out_hbm.at[pl.ds(0, CHUNK)], dsem[b]).wait()

    return sc_lookup


def kernel(input_ids, pos_ids, ute_ids, word_emb, pos_emb, ute_emb):
    b, l = input_ids.shape
    widx = input_ids.reshape(-1).astype(jnp.int32)
    pidx = pos_ids.reshape(-1).astype(jnp.int32)
    uidx = ute_ids.reshape(-1).astype(jnp.int32)
    out = _make_sc_lookup(b * l)(widx, pidx, uidx, word_emb, pos_emb, ute_emb)
    return out.reshape(b, l, HIDDEN)

# --- scband reference (transcript-rebuilt; emitter-appended) ---
"""Pipeline reference for scband-embedding-84396107366840 (READ-ONLY COPY).

The authoritative reference and input builder live on the scoring server;
editing this copy changes nothing except your own understanding.
"""

import jax, jax.numpy as jnp
import numpy as np

VOCAB = 100000
MAX_POS = 512
MAX_UTE = 64
HIDDEN = 128
B, L = 4096, 200


def setup_inputs(seed: int = 0) -> dict:
    key = jax.random.key(seed)
    k1, k2, k3, k4, k5, k6 = jax.random.split(key, 6)
    input_ids = jax.random.randint(k1, (B, L), 0, VOCAB, dtype=jnp.int64 if jax.config.jax_enable_x64 else jnp.int32)
    pos_ids = jax.random.randint(k2, (B, L), 0, 200, dtype=input_ids.dtype)
    ute_ids = jax.random.randint(k3, (B, L), 0, MAX_UTE, dtype=input_ids.dtype)
    word_emb = jax.random.normal(k4, (VOCAB, HIDDEN), dtype=jnp.float32) * 0.02
    # padding_idx row initialized to zero, matching torch nn.Embedding(padding_idx=0)
    word_emb = word_emb.at[0].set(0.0)
    pos_emb = jax.random.normal(k5, (MAX_POS, HIDDEN), dtype=jnp.float32) * 0.02
    ute_emb = jax.random.normal(k6, (MAX_UTE, HIDDEN), dtype=jnp.float32) * 0.02
    return {"input_ids": input_ids, "pos_ids": pos_ids, "ute_ids": ute_ids,
            "word_emb": word_emb, "pos_emb": pos_emb, "ute_emb": ute_emb}


def reference(input_ids, pos_ids, ute_ids, word_emb, pos_emb, ute_emb):
    # add_entity=False path; dropout is identity in eval mode
    embed = jnp.take(word_emb, input_ids, axis=0) \
          + jnp.take(pos_emb, pos_ids, axis=0) \
          + jnp.take(ute_emb, ute_ids, axis=0)
    return embed

if __name__ == "__main__":
    import jax
    _d = setup_inputs()
    print(jax.jit(kernel)(*tuple(_d.values())))

</pallas_src>

<mosaic_0001>
#map = affine_map<(d0, d1) -> (0)>
#map1 = affine_map<(d0, d1) -> (0, 0)>
module attributes {stable_mosaic.version = 14 : i64} {
  func.func @sc_lookup(%arg0: i32, %arg1: i32, %arg2: memref<819200xi32, #tpu.memory_space<hbm>>, %arg3: memref<819200xi32, #tpu.memory_space<hbm>>, %arg4: memref<819200xi32, #tpu.memory_space<hbm>>, %arg5: memref<100000x128xf32, #tpu.memory_space<hbm>>, %arg6: memref<512x128xf32, #tpu.memory_space<hbm>>, %arg7: memref<64x128xf32, #tpu.memory_space<hbm>>, %arg8: memref<819200x128xf32, #tpu.memory_space<hbm>>, %arg9: memref<128xi32, #tpu.memory_space<vmem>>, %arg10: memref<128xi32, #tpu.memory_space<vmem>>, %arg11: memref<128xi32, #tpu.memory_space<vmem>>, %arg12: memref<128xi32, #tpu.memory_space<vmem>>, %arg13: memref<128xi32, #tpu.memory_space<vmem>>, %arg14: memref<128xi32, #tpu.memory_space<vmem>>, %arg15: memref<128xi32, #tpu.memory_space<vmem>>, %arg16: memref<128xi32, #tpu.memory_space<vmem>>, %arg17: memref<128xi32, #tpu.memory_space<vmem>>, %arg18: memref<128xi32, #tpu.memory_space<vmem>>, %arg19: memref<128xi32, #tpu.memory_space<vmem>>, %arg20: memref<128xi32, #tpu.memory_space<vmem>>, %arg21: memref<128xi32, #tpu.memory_space<vmem>>, %arg22: memref<128xi32, #tpu.memory_space<vmem>>, %arg23: memref<128xi32, #tpu.memory_space<vmem>>, %arg24: memref<128x128xf32, #tpu.memory_space<vmem>>, %arg25: memref<128x128xf32, #tpu.memory_space<vmem>>, %arg26: memref<128x128xf32, #tpu.memory_space<vmem>>, %arg27: memref<128x128xf32, #tpu.memory_space<vmem>>, %arg28: memref<128x128xf32, #tpu.memory_space<vmem>>, %arg29: memref<!tpu.dma_semaphore, #tpu.memory_space<semaphore_mem>>, %arg30: memref<!tpu.dma_semaphore, #tpu.memory_space<semaphore_mem>>, %arg31: memref<!tpu.dma_semaphore, #tpu.memory_space<semaphore_mem>>, %arg32: memref<!tpu.dma_semaphore, #tpu.memory_space<semaphore_mem>>, %arg33: memref<!tpu.dma_semaphore, #tpu.memory_space<semaphore_mem>>, %arg34: memref<!tpu.dma_semaphore, #tpu.memory_space<semaphore_mem>>, %arg35: memref<!tpu.dma_semaphore, #tpu.memory_space<semaphore_mem>>, %arg36: memref<!tpu.dma_semaphore, #tpu.memory_space<semaphore_mem>>, %arg37: memref<!tpu.dma_semaphore, #tpu.memory_space<semaphore_mem>>, %arg38: memref<!tpu.dma_semaphore, #tpu.memory_space<semaphore_mem>>, %arg39: memref<200x128xf32, #tpu.memory_space<vmem_shared>>, %arg40: memref<64x128xf32, #tpu.memory_space<vmem_shared>>) attributes {dimension_semantics = [#tpu.dimension_semantics<core_parallel>, #tpu.dimension_semantics<subcore_parallel>], iteration_bounds = array<i64: 2, 16>, scalar_prefetch = 0 : i64, scratch_operands = 32 : i64, tpu.core_type = #tpu.core_type<sc_vector_subcore>, window_params = [{transform_indices = #map}, {transform_indices = #map}, {transform_indices = #map}, {transform_indices = #map1}, {transform_indices = #map1}, {transform_indices = #map1}, {transform_indices = #map1}]} {
    %mul3A = arith.constant 2 : i32
    %mul3A_0 = arith.muli %arg1, %mul3A : i32
    %add3A = arith.addi %mul3A_0, %arg0 : i32
    %mul3A_1 = arith.constant 25600 : i32
    %mul3A_2 = arith.muli %add3A, %mul3A_1 : i32
    %eq3A = arith.constant 0 : i32
    %eq3A_3 = arith.cmpi eq, %arg1, %eq3A : i32
    %convert_element_type3A = arith.extui %eq3A_3 : i1 to i32
    %cond3A = arith.constant 0 : i32
    %cond3A_4 = arith.cmpi ne, %convert_element_type3A, %cond3A : i32
    scf.if %cond3A_4 {
      "tpu.region"() ({
        %run_scoped3A = tpu.sem_alloc : memref<!tpu.dma_semaphore, #tpu.memory_space<semaphore_mem>>
        %dma_start3A_258 = arith.constant 0 : i32
        %dma_start3A_259 = arith.constant 0 : i32
        %dma_start3A_260 = tpu.memref_slice %arg6[%dma_start3A_258, %dma_start3A_259] : memref<512x128xf32, #tpu.memory_space<hbm>> -> memref<200x128xf32, #tpu.memory_space<hbm>>
        tpu.enqueue_dma source(%dma_start3A_260 : memref<200x128xf32, #tpu.memory_space<hbm>>) target(%arg39 : memref<200x128xf32, #tpu.memory_space<vmem_shared>>) target_semaphore(%run_scoped3A : memref<!tpu.dma_semaphore, #tpu.memory_space<semaphore_mem>>)
        %dma_wait3A_261 = arith.constant 0 : i32
        %dma_wait3A_262 = arith.constant 0 : i32
        %dma_wait3A_263 = tpu.memref_slice %arg6[%dma_wait3A_261, %dma_wait3A_262] : memref<512x128xf32, #tpu.memory_space<hbm>> -> memref<200x128xf32, #tpu.memory_space<hbm>>
        tpu.wait_dma2 semaphore(%run_scoped3A : memref<!tpu.dma_semaphore, #tpu.memory_space<semaphore_mem>>) src(%dma_wait3A_263 : memref<200x128xf32, #tpu.memory_space<hbm>>) dst(%arg39 : memref<200x128xf32, #tpu.memory_space<vmem_shared>>)
        tpu.yield
      }) : () -> ()
      "tpu.region"() ({
        %run_scoped3A = tpu.sem_alloc : memref<!tpu.dma_semaphore, #tpu.memory_space<semaphore_mem>>
        tpu.enqueue_dma source(%arg7 : memref<64x128xf32, #tpu.memory_space<hbm>>) target(%arg40 : memref<64x128xf32, #tpu.memory_space<vmem_shared>>) target_semaphore(%run_scoped3A : memref<!tpu.dma_semaphore, #tpu.memory_space<semaphore_mem>>)
        tpu.wait_dma2 semaphore(%run_scoped3A : memref<!tpu.dma_semaphore, #tpu.memory_space<semaphore_mem>>) src(%arg7 : memref<64x128xf32, #tpu.memory_space<hbm>>) dst(%arg40 : memref<64x128xf32, #tpu.memory_space<vmem_shared>>)
        tpu.yield
      }) : () -> ()
    } else {
    }
    %barrier3A = arith.constant 0 : index
    tpu.barrier barrier_id(%barrier3A)
    %add3A_5 = arith.constant 0 : i32
    %add3A_6 = arith.addi %mul3A_2, %add3A_5 : i32
    %dma_start3A = tpu.memref_slice %arg2[%add3A_6] : memref<819200xi32, #tpu.memory_space<hbm>> -> memref<128xi32, #tpu.memory_space<hbm>>
    %dma_start3A_7 = tpu.memref_slice %arg2[%add3A_6] : memref<819200xi32, #tpu.memory_space<hbm>> -> memref<128xi32, #tpu.memory_space<hbm>>
    tpu.enqueue_dma source(%dma_start3A_7 : memref<128xi32, #tpu.memory_space<hbm>>) target(%arg9 : memref<128xi32, #tpu.memory_space<vmem>>) target_semaphore(%arg34 : memref<!tpu.dma_semaphore, #tpu.memory_space<semaphore_mem>>)
    %dma_start3A_8 = tpu.memref_slice %arg3[%add3A_6] : memref<819200xi32, #tpu.memory_space<hbm>> -> memref<128xi32, #tpu.memory_space<hbm>>
    %dma_start3A_9 = tpu.memref_slice %arg3[%add3A_6] : memref<819200xi32, #tpu.memory_space<hbm>> -> memref<128xi32, #tpu.memory_space<hbm>>
    tpu.enqueue_dma source(%dma_start3A_9 : memref<128xi32, #tpu.memory_space<hbm>>) target(%arg14 : memref<128xi32, #tpu.memory_space<vmem>>) target_semaphore(%arg34 : memref<!tpu.dma_semaphore, #tpu.memory_space<semaphore_mem>>)
    %dma_start3A_10 = tpu.memref_slice %arg4[%add3A_6] : memref<819200xi32, #tpu.memory_space<hbm>> -> memref<128xi32, #tpu.memory_space<hbm>>
    %dma_start3A_11 = tpu.memref_slice %arg4[%add3A_6] : memref<819200xi32, #tpu.memory_space<hbm>> -> memref<128xi32, #tpu.memory_space<hbm>>
    tpu.enqueue_dma source(%dma_start3A_11 : memref<128xi32, #tpu.memory_space<hbm>>) target(%arg19 : memref<128xi32, #tpu.memory_space<vmem>>) target_semaphore(%arg34 : memref<!tpu.dma_semaphore, #tpu.memory_space<semaphore_mem>>)
    %add3A_12 = arith.constant 128 : i32
    %add3A_13 = arith.addi %mul3A_2, %add3A_12 : i32
    %dma_start3A_14 = tpu.memref_slice %arg2[%add3A_13] : memref<819200xi32, #tpu.memory_space<hbm>> -> memref<128xi32, #tpu.memory_space<hbm>>
    %dma_start3A_15 = tpu.memref_slice %arg2[%add3A_13] : memref<819200xi32, #tpu.memory_space<hbm>> -> memref<128xi32, #tpu.memory_space<hbm>>
    tpu.enqueue_dma source(%dma_start3A_15 : memref<128xi32, #tpu.memory_space<hbm>>) target(%arg10 : memref<128xi32, #tpu.memory_space<vmem>>) target_semaphore(%arg35 : memref<!tpu.dma_semaphore, #tpu.memory_space<semaphore_mem>>)
    %dma_start3A_16 = tpu.memref_slice %arg3[%add3A_13] : memref<819200xi32, #tpu.memory_space<hbm>> -> memref<128xi32, #tpu.memory_space<hbm>>
    %dma_start3A_17 = tpu.memref_slice %arg3[%add3A_13] : memref<819200xi32, #tpu.memory_space<hbm>> -> memref<128xi32, #tpu.memory_space<hbm>>
    tpu.enqueue_dma source(%dma_start3A_17 : memref<128xi32, #tpu.memory_space<hbm>>) target(%arg15 : memref<128xi32, #tpu.memory_space<vmem>>) target_semaphore(%arg35 : memref<!tpu.dma_semaphore, #tpu.memory_space<semaphore_mem>>)
    %dma_start3A_18 = tpu.memref_slice %arg4[%add3A_13] : memref<819200xi32, #tpu.memory_space<hbm>> -> memref<128xi32, #tpu.memory_space<hbm>>
    %dma_start3A_19 = tpu.memref_slice %arg4[%add3A_13] : memref<819200xi32, #tpu.memory_space<hbm>> -> memref<128xi32, #tpu.memory_space<hbm>>
    tpu.enqueue_dma source(%dma_start3A_19 : memref<128xi32, #tpu.memory_space<hbm>>) target(%arg20 : memref<128xi32, #tpu.memory_space<vmem>>) target_semaphore(%arg35 : memref<!tpu.dma_semaphore, #tpu.memory_space<semaphore_mem>>)
    %dma_wait3A = arith.constant 0 : i32
    %dma_wait3A_20 = tpu.memref_slice %arg2[%dma_wait3A] : memref<819200xi32, #tpu.memory_space<hbm>> -> memref<128xi32, #tpu.memory_space<hbm>>
    %dma_wait3A_21 = arith.constant 0 : i32
    %dma_wait3A_22 = tpu.memref_slice %arg2[%dma_wait3A_21] : memref<819200xi32, #tpu.memory_space<hbm>> -> memref<128xi32, #tpu.memory_space<hbm>>
    tpu.wait_dma2 semaphore(%arg34 : memref<!tpu.dma_semaphore, #tpu.memory_space<semaphore_mem>>) src(%dma_wait3A_22 : memref<128xi32, #tpu.memory_space<hbm>>) dst(%arg9 : memref<128xi32, #tpu.memory_space<vmem>>)
    %dma_wait3A_23 = arith.constant 0 : i32
    %dma_wait3A_24 = tpu.memref_slice %arg3[%dma_wait3A_23] : memref<819200xi32, #tpu.memory_space<hbm>> -> memref<128xi32, #tpu.memory_space<hbm>>
    %dma_wait3A_25 = arith.constant 0 : i32
    %dma_wait3A_26 = tpu.memref_slice %arg3[%dma_wait3A_25] : memref<819200xi32, #tpu.memory_space<hbm>> -> memref<128xi32, #tpu.memory_space<hbm>>
    tpu.wait_dma2 semaphore(%arg34 : memref<!tpu.dma_semaphore, #tpu.memory_space<semaphore_mem>>) src(%dma_wait3A_26 : memref<128xi32, #tpu.memory_space<hbm>>) dst(%arg14 : memref<128xi32, #tpu.memory_space<vmem>>)
    %dma_wait3A_27 = arith.constant 0 : i32
    %dma_wait3A_28 = tpu.memref_slice %arg4[%dma_wait3A_27] : memref<819200xi32, #tpu.memory_space<hbm>> -> memref<128xi32, #tpu.memory_space<hbm>>
    %dma_wait3A_29 = arith.constant 0 : i32
    %dma_wait3A_30 = tpu.memref_slice %arg4[%dma_wait3A_29] : memref<819200xi32, #tpu.memory_space<hbm>> -> memref<128xi32, #tpu.memory_space<hbm>>
    tpu.wait_dma2 semaphore(%arg34 : memref<!tpu.dma_semaphore, #tpu.memory_space<semaphore_mem>>) src(%dma_wait3A_30 : memref<128xi32, #tpu.memory_space<hbm>>) dst(%arg19 : memref<128xi32, #tpu.memory_space<vmem>>)
    %dma_start3A_31 = arith.constant 0 : i32
    %dma_start3A_32 = arith.constant 0 : i32
    %dma_start3A_33 = tpu.memref_slice %arg5[%dma_start3A_31, %dma_start3A_32] : memref<100000x128xf32, #tpu.memory_space<hbm>> -> memref<100000x128xf32, #tpu.memory_space<hbm>>
    tpu.enqueue_indirect_dma source(%dma_start3A_33 : memref<100000x128xf32, #tpu.memory_space<hbm>>) target(%arg24 : memref<128x128xf32, #tpu.memory_space<vmem>>) offsets(%arg9 : memref<128xi32, #tpu.memory_space<vmem>>) semaphore(%arg29 : memref<!tpu.dma_semaphore, #tpu.memory_space<semaphore_mem>>)
    %add3A_34 = arith.constant 256 : i32
    %add3A_35 = arith.addi %mul3A_2, %add3A_34 : i32
    %dma_start3A_36 = tpu.memref_slice %arg2[%add3A_35] : memref<819200xi32, #tpu.memory_space<hbm>> -> memref<128xi32, #tpu.memory_space<hbm>>
    %dma_start3A_37 = tpu.memref_slice %arg2[%add3A_35] : memref<819200xi32, #tpu.memory_space<hbm>> -> memref<128xi32, #tpu.memory_space<hbm>>
    tpu.enqueue_dma source(%dma_start3A_37 : memref<128xi32, #tpu.memory_space<hbm>>) target(%arg11 : memref<128xi32, #tpu.memory_space<vmem>>) target_semaphore(%arg36 : memref<!tpu.dma_semaphore, #tpu.memory_space<semaphore_mem>>)
    %dma_start3A_38 = tpu.memref_slice %arg3[%add3A_35] : memref<819200xi32, #tpu.memory_space<hbm>> -> memref<128xi32, #tpu.memory_space<hbm>>
    %dma_start3A_39 = tpu.memref_slice %arg3[%add3A_35] : memref<819200xi32, #tpu.memory_space<hbm>> -> memref<128xi32, #tpu.memory_space<hbm>>
    tpu.enqueue_dma source(%dma_start3A_39 : memref<128xi32, #tpu.memory_space<hbm>>) target(%arg16 : memref<128xi32, #tpu.memory_space<vmem>>) target_semaphore(%arg36 : memref<!tpu.dma_semaphore, #tpu.memory_space<semaphore_mem>>)
    %dma_start3A_40 = tpu.memref_slice %arg4[%add3A_35] : memref<819200xi32, #tpu.memory_space<hbm>> -> memref<128xi32, #tpu.memory_space<hbm>>
    %dma_start3A_41 = tpu.memref_slice %arg4[%add3A_35] : memref<819200xi32, #tpu.memory_space<hbm>> -> memref<128xi32, #tpu.memory_space<hbm>>
    tpu.enqueue_dma source(%dma_start3A_41 : memref<128xi32, #tpu.memory_space<hbm>>) target(%arg21 : memref<128xi32, #tpu.memory_space<vmem>>) target_semaphore(%arg36 : memref<!tpu.dma_semaphore, #tpu.memory_space<semaphore_mem>>)
    %dma_wait3A_42 = arith.constant 0 : i32
    %dma_wait3A_43 = tpu.memref_slice %arg2[%dma_wait3A_42] : memref<819200xi32, #tpu.memory_space<hbm>> -> memref<128xi32, #tpu.memory_space<hbm>>
    %dma_wait3A_44 = arith.constant 0 : i32
    %dma_wait3A_45 = tpu.memref_slice %arg2[%dma_wait3A_44] : memref<819200xi32, #tpu.memory_space<hbm>> -> memref<128xi32, #tpu.memory_space<hbm>>
    tpu.wait_dma2 semaphore(%arg35 : memref<!tpu.dma_semaphore, #tpu.memory_space<semaphore_mem>>) src(%dma_wait3A_45 : memref<128xi32, #tpu.memory_space<hbm>>) dst(%arg10 : memref<128xi32, #tpu.memory_space<vmem>>)
    %dma_wait3A_46 = arith.constant 0 : i32
    %dma_wait3A_47 = tpu.memref_slice %arg3[%dma_wait3A_46] : memref<819200xi32, #tpu.memory_space<hbm>> -> memref<128xi32, #tpu.memory_space<hbm>>
    %dma_wait3A_48 = arith.constant 0 : i32
    %dma_wait3A_49 = tpu.memref_slice %arg3[%dma_wait3A_48] : memref<819200xi32, #tpu.memory_space<hbm>> -> memref<128xi32, #tpu.memory_space<hbm>>
    tpu.wait_dma2 semaphore(%arg35 : memref<!tpu.dma_semaphore, #tpu.memory_space<semaphore_mem>>) src(%dma_wait3A_49 : memref<128xi32, #tpu.memory_space<hbm>>) dst(%arg15 : memref<128xi32, #tpu.memory_space<vmem>>)
    %dma_wait3A_50 = arith.constant 0 : i32
    %dma_wait3A_51 = tpu.memref_slice %arg4[%dma_wait3A_50] : memref<819200xi32, #tpu.memory_space<hbm>> -> memref<128xi32, #tpu.memory_space<hbm>>
    %dma_wait3A_52 = arith.constant 0 : i32
    %dma_wait3A_53 = tpu.memref_slice %arg4[%dma_wait3A_52] : memref<819200xi32, #tpu.memory_space<hbm>> -> memref<128xi32, #tpu.memory_space<hbm>>
    tpu.wait_dma2 semaphore(%arg35 : memref<!tpu.dma_semaphore, #tpu.memory_space<semaphore_mem>>) src(%dma_wait3A_53 : memref<128xi32, #tpu.memory_space<hbm>>) dst(%arg20 : memref<128xi32, #tpu.memory_space<vmem>>)
    %dma_start3A_54 = arith.constant 0 : i32
    %dma_start3A_55 = arith.constant 0 : i32
    %dma_start3A_56 = tpu.memref_slice %arg5[%dma_start3A_54, %dma_start3A_55] : memref<100000x128xf32, #tpu.memory_space<hbm>> -> memref<100000x128xf32, #tpu.memory_space<hbm>>
    tpu.enqueue_indirect_dma source(%dma_start3A_56 : memref<100000x128xf32, #tpu.memory_space<hbm>>) target(%arg25 : memref<128x128xf32, #tpu.memory_space<vmem>>) offsets(%arg10 : memref<128xi32, #tpu.memory_space<vmem>>) semaphore(%arg30 : memref<!tpu.dma_semaphore, #tpu.memory_space<semaphore_mem>>)
    %dma_wait3A_57 = arith.constant 0 : i32
    %dma_wait3A_58 = arith.constant 0 : i32
    %dma_wait3A_59 = tpu.memref_slice %arg5[%dma_wait3A_57, %dma_wait3A_58] : memref<100000x128xf32, #tpu.memory_space<hbm>> -> memref<100000x128xf32, #tpu.memory_space<hbm>>
    tpu.wait_indirect_dma semaphore(%arg29 : memref<!tpu.dma_semaphore, #tpu.memory_space<semaphore_mem>>) src(%dma_wait3A_59 : memref<100000x128xf32, #tpu.memory_space<hbm>>) dst(%arg24 : memref<128x128xf32, #tpu.memory_space<vmem>>)
    %dma_start3A_60 = arith.constant 0 : i32
    %dma_start3A_61 = arith.constant 0 : i32
    %dma_start3A_62 = tpu.memref_slice %arg39[%dma_start3A_60, %dma_start3A_61] : memref<200x128xf32, #tpu.memory_space<vmem_shared>> -> memref<200x128xf32, #tpu.memory_space<vmem_shared>>
    tpu.enqueue_indirect_dma source(%dma_start3A_62 : memref<200x128xf32, #tpu.memory_space<vmem_shared>>) target(%arg24 : memref<128x128xf32, #tpu.memory_space<vmem>>) offsets(%arg14 : memref<128xi32, #tpu.memory_space<vmem>>) semaphore(%arg29 : memref<!tpu.dma_semaphore, #tpu.memory_space<semaphore_mem>>) {add = true}
    %dma_start3A_63 = arith.constant 0 : i32
    %dma_start3A_64 = arith.constant 0 : i32
    %dma_start3A_65 = tpu.memref_slice %arg40[%dma_start3A_63, %dma_start3A_64] : memref<64x128xf32, #tpu.memory_space<vmem_shared>> -> memref<64x128xf32, #tpu.memory_space<vmem_shared>>
    tpu.enqueue_indirect_dma source(%dma_start3A_65 : memref<64x128xf32, #tpu.memory_space<vmem_shared>>) target(%arg24 : memref<128x128xf32, #tpu.memory_space<vmem>>) offsets(%arg19 : memref<128xi32, #tpu.memory_space<vmem>>) semaphore(%arg29 : memref<!tpu.dma_semaphore, #tpu.memory_space<semaphore_mem>>) {add = true}
    %add3A_66 = arith.constant 384 : i32
    %add3A_67 = arith.addi %mul3A_2, %add3A_66 : i32
    %dma_start3A_68 = tpu.memref_slice %arg2[%add3A_67] : memref<819200xi32, #tpu.memory_space<hbm>> -> memref<128xi32, #tpu.memory_space<hbm>>
    %dma_start3A_69 = tpu.memref_slice %arg2[%add3A_67] : memref<819200xi32, #tpu.memory_space<hbm>> -> memref<128xi32, #tpu.memory_space<hbm>>
    tpu.enqueue_dma source(%dma_start3A_69 : memref<128xi32, #tpu.memory_space<hbm>>) target(%arg12 : memref<128xi32, #tpu.memory_space<vmem>>) target_semaphore(%arg37 : memref<!tpu.dma_semaphore, #tpu.memory_space<semaphore_mem>>)
    %dma_start3A_70 = tpu.memref_slice %arg3[%add3A_67] : memref<819200xi32, #tpu.memory_space<hbm>> -> memref<128xi32, #tpu.memory_space<hbm>>
    %dma_start3A_71 = tpu.memref_slice %arg3[%add3A_67] : memref<819200xi32, #tpu.memory_space<hbm>> -> memref<128xi32, #tpu.memory_space<hbm>>
    tpu.enqueue_dma source(%dma_start3A_71 : memref<128xi32, #tpu.memory_space<hbm>>) target(%arg17 : memref<128xi32, #tpu.memory_space<vmem>>) target_semaphore(%arg37 : memref<!tpu.dma_semaphore, #tpu.memory_space<semaphore_mem>>)
    %dma_start3A_72 = tpu.memref_slice %arg4[%add3A_67] : memref<819200xi32, #tpu.memory_space<hbm>> -> memref<128xi32, #tpu.memory_space<hbm>>
    %dma_start3A_73 = tpu.memref_slice %arg4[%add3A_67] : memref<819200xi32, #tpu.memory_space<hbm>> -> memref<128xi32, #tpu.memory_space<hbm>>
    tpu.enqueue_dma source(%dma_start3A_73 : memref<128xi32, #tpu.memory_space<hbm>>) target(%arg22 : memref<128xi32, #tpu.memory_space<vmem>>) target_semaphore(%arg37 : memref<!tpu.dma_semaphore, #tpu.memory_space<semaphore_mem>>)
    %dma_wait3A_74 = arith.constant 0 : i32
    %dma_wait3A_75 = tpu.memref_slice %arg2[%dma_wait3A_74] : memref<819200xi32, #tpu.memory_space<hbm>> -> memref<128xi32, #tpu.memory_space<hbm>>
    %dma_wait3A_76 = arith.constant 0 : i32
    %dma_wait3A_77 = tpu.memref_slice %arg2[%dma_wait3A_76] : memref<819200xi32, #tpu.memory_space<hbm>> -> memref<128xi32, #tpu.memory_space<hbm>>
    tpu.wait_dma2 semaphore(%arg36 : memref<!tpu.dma_semaphore, #tpu.memory_space<semaphore_mem>>) src(%dma_wait3A_77 : memref<128xi32, #tpu.memory_space<hbm>>) dst(%arg11 : memref<128xi32, #tpu.memory_space<vmem>>)
    %dma_wait3A_78 = arith.constant 0 : i32
    %dma_wait3A_79 = tpu.memref_slice %arg3[%dma_wait3A_78] : memref<819200xi32, #tpu.memory_space<hbm>> -> memref<128xi32, #tpu.memory_space<hbm>>
    %dma_wait3A_80 = arith.constant 0 : i32
    %dma_wait3A_81 = tpu.memref_slice %arg3[%dma_wait3A_80] : memref<819200xi32, #tpu.memory_space<hbm>> -> memref<128xi32, #tpu.memory_space<hbm>>
    tpu.wait_dma2 semaphore(%arg36 : memref<!tpu.dma_semaphore, #tpu.memory_space<semaphore_mem>>) src(%dma_wait3A_81 : memref<128xi32, #tpu.memory_space<hbm>>) dst(%arg16 : memref<128xi32, #tpu.memory_space<vmem>>)
    %dma_wait3A_82 = arith.constant 0 : i32
    %dma_wait3A_83 = tpu.memref_slice %arg4[%dma_wait3A_82] : memref<819200xi32, #tpu.memory_space<hbm>> -> memref<128xi32, #tpu.memory_space<hbm>>
    %dma_wait3A_84 = arith.constant 0 : i32
    %dma_wait3A_85 = tpu.memref_slice %arg4[%dma_wait3A_84] : memref<819200xi32, #tpu.memory_space<hbm>> -> memref<128xi32, #tpu.memory_space<hbm>>
    tpu.wait_dma2 semaphore(%arg36 : memref<!tpu.dma_semaphore, #tpu.memory_space<semaphore_mem>>) src(%dma_wait3A_85 : memref<128xi32, #tpu.memory_space<hbm>>) dst(%arg21 : memref<128xi32, #tpu.memory_space<vmem>>)
    %dma_start3A_86 = arith.constant 0 : i32
    %dma_start3A_87 = arith.constant 0 : i32
    %dma_start3A_88 = tpu.memref_slice %arg5[%dma_start3A_86, %dma_start3A_87] : memref<100000x128xf32, #tpu.memory_space<hbm>> -> memref<100000x128xf32, #tpu.memory_space<hbm>>
    tpu.enqueue_indirect_dma source(%dma_start3A_88 : memref<100000x128xf32, #tpu.memory_space<hbm>>) target(%arg26 : memref<128x128xf32, #tpu.memory_space<vmem>>) offsets(%arg11 : memref<128xi32, #tpu.memory_space<vmem>>) semaphore(%arg31 : memref<!tpu.dma_semaphore, #tpu.memory_space<semaphore_mem>>)
    %dma_wait3A_89 = arith.constant 0 : i32
    %dma_wait3A_90 = arith.constant 0 : i32
    %dma_wait3A_91 = tpu.memref_slice %arg5[%dma_wait3A_89, %dma_wait3A_90] : memref<100000x128xf32, #tpu.memory_space<hbm>> -> memref<100000x128xf32, #tpu.memory_space<hbm>>
    tpu.wait_indirect_dma semaphore(%arg30 : memref<!tpu.dma_semaphore, #tpu.memory_space<semaphore_mem>>) src(%dma_wait3A_91 : memref<100000x128xf32, #tpu.memory_space<hbm>>) dst(%arg25 : memref<128x128xf32, #tpu.memory_space<vmem>>)
    %dma_start3A_92 = arith.constant 0 : i32
    %dma_start3A_93 = arith.constant 0 : i32
    %dma_start3A_94 = tpu.memref_slice %arg39[%dma_start3A_92, %dma_start3A_93] : memref<200x128xf32, #tpu.memory_space<vmem_shared>> -> memref<200x128xf32, #tpu.memory_space<vmem_shared>>
    tpu.enqueue_indirect_dma source(%dma_start3A_94 : memref<200x128xf32, #tpu.memory_space<vmem_shared>>) target(%arg25 : memref<128x128xf32, #tpu.memory_space<vmem>>) offsets(%arg15 : memref<128xi32, #tpu.memory_space<vmem>>) semaphore(%arg30 : memref<!tpu.dma_semaphore, #tpu.memory_space<semaphore_mem>>) {add = true}
    %dma_start3A_95 = arith.constant 0 : i32
    %dma_start3A_96 = arith.constant 0 : i32
    %dma_start3A_97 = tpu.memref_slice %arg40[%dma_start3A_95, %dma_start3A_96] : memref<64x128xf32, #tpu.memory_space<vmem_shared>> -> memref<64x128xf32, #tpu.memory_space<vmem_shared>>
    tpu.enqueue_indirect_dma source(%dma_start3A_97 : memref<64x128xf32, #tpu.memory_space<vmem_shared>>) target(%arg25 : memref<128x128xf32, #tpu.memory_space<vmem>>) offsets(%arg20 : memref<128xi32, #tpu.memory_space<vmem>>) semaphore(%arg30 : memref<!tpu.dma_semaphore, #tpu.memory_space<semaphore_mem>>) {add = true}
    %dma_wait3A_98 = arith.constant 0 : i32
    %dma_wait3A_99 = arith.constant 0 : i32
    %dma_wait3A_100 = tpu.memref_slice %arg39[%dma_wait3A_98, %dma_wait3A_99] : memref<200x128xf32, #tpu.memory_space<vmem_shared>> -> memref<200x128xf32, #tpu.memory_space<vmem_shared>>
    tpu.wait_indirect_dma semaphore(%arg29 : memref<!tpu.dma_semaphore, #tpu.memory_space<semaphore_mem>>) src(%dma_wait3A_100 : memref<200x128xf32, #tpu.memory_space<vmem_shared>>) dst(%arg24 : memref<128x128xf32, #tpu.memory_space<vmem>>)
    %dma_wait3A_101 = arith.constant 0 : i32
    %dma_wait3A_102 = arith.constant 0 : i32
    %dma_wait3A_103 = tpu.memref_slice %arg40[%dma_wait3A_101, %dma_wait3A_102] : memref<64x128xf32, #tpu.memory_space<vmem_shared>> -> memref<64x128xf32, #tpu.memory_space<vmem_shared>>
    tpu.wait_indirect_dma semaphore(%arg29 : memref<!tpu.dma_semaphore, #tpu.memory_space<semaphore_mem>>) src(%dma_wait3A_103 : memref<64x128xf32, #tpu.memory_space<vmem_shared>>) dst(%arg24 : memref<128x128xf32, #tpu.memory_space<vmem>>)
    %add3A_104 = arith.constant 0 : i32
    %add3A_105 = arith.addi %mul3A_2, %add3A_104 : i32
    %dma_start3A_106 = arith.constant 0 : i32
    %dma_start3A_107 = tpu.memref_slice %arg8[%add3A_105, %dma_start3A_106] : memref<819200x128xf32, #tpu.memory_space<hbm>> -> memref<128x128xf32, #tpu.memory_space<hbm>>
    %dma_start3A_108 = arith.constant 0 : i32
    %dma_start3A_109 = tpu.memref_slice %arg8[%add3A_105, %dma_start3A_108] : memref<819200x128xf32, #tpu.memory_space<hbm>> -> memref<128x128xf32, #tpu.memory_space<hbm>>
    tpu.enqueue_dma source(%arg24 : memref<128x128xf32, #tpu.memory_space<vmem>>) target(%dma_start3A_109 : memref<128x128xf32, #tpu.memory_space<hbm>>) target_semaphore(%arg29 : memref<!tpu.dma_semaphore, #tpu.memory_space<semaphore_mem>>)
    %add3A_110 = arith.constant 512 : i32
    %add3A_111 = arith.addi %mul3A_2, %add3A_110 : i32
    %dma_start3A_112 = tpu.memref_slice %arg2[%add3A_111] : memref<819200xi32, #tpu.memory_space<hbm>> -> memref<128xi32, #tpu.memory_space<hbm>>
    %dma_start3A_113 = tpu.memref_slice %arg2[%add3A_111] : memref<819200xi32, #tpu.memory_space<hbm>> -> memref<128xi32, #tpu.memory_space<hbm>>
    tpu.enqueue_dma source(%dma_start3A_113 : memref<128xi32, #tpu.memory_space<hbm>>) target(%arg13 : memref<128xi32, #tpu.memory_space<vmem>>) target_semaphore(%arg38 : memref<!tpu.dma_semaphore, #tpu.memory_space<semaphore_mem>>)
    %dma_start3A_114 = tpu.memref_slice %arg3[%add3A_111] : memref<819200xi32, #tpu.memory_space<hbm>> -> memref<128xi32, #tpu.memory_space<hbm>>
    %dma_start3A_115 = tpu.memref_slice %arg3[%add3A_111] : memref<819200xi32, #tpu.memory_space<hbm>> -> memref<128xi32, #tpu.memory_space<hbm>>
    tpu.enqueue_dma source(%dma_start3A_115 : memref<128xi32, #tpu.memory_space<hbm>>) target(%arg18 : memref<128xi32, #tpu.memory_space<vmem>>) target_semaphore(%arg38 : memref<!tpu.dma_semaphore, #tpu.memory_space<semaphore_mem>>)
    %dma_start3A_116 = tpu.memref_slice %arg4[%add3A_111] : memref<819200xi32, #tpu.memory_space<hbm>> -> memref<128xi32, #tpu.memory_space<hbm>>
    %dma_start3A_117 = tpu.memref_slice %arg4[%add3A_111] : memref<819200xi32, #tpu.memory_space<hbm>> -> memref<128xi32, #tpu.memory_space<hbm>>
    tpu.enqueue_dma source(%dma_start3A_117 : memref<128xi32, #tpu.memory_space<hbm>>) target(%arg23 : memref<128xi32, #tpu.memory_space<vmem>>) target_semaphore(%arg38 : memref<!tpu.dma_semaphore, #tpu.memory_space<semaphore_mem>>)
    %dma_wait3A_118 = arith.constant 0 : i32
    %dma_wait3A_119 = tpu.memref_slice %arg2[%dma_wait3A_118] : memref<819200xi32, #tpu.memory_space<hbm>> -> memref<128xi32, #tpu.memory_space<hbm>>
    %dma_wait3A_120 = arith.constant 0 : i32
    %dma_wait3A_121 = tpu.memref_slice %arg2[%dma_wait3A_120] : memref<819200xi32, #tpu.memory_space<hbm>> -> memref<128xi32, #tpu.memory_space<hbm>>
    tpu.wait_dma2 semaphore(%arg37 : memref<!tpu.dma_semaphore, #tpu.memory_space<semaphore_mem>>) src(%dma_wait3A_121 : memref<128xi32, #tpu.memory_space<hbm>>) dst(%arg12 : memref<128xi32, #tpu.memory_space<vmem>>)
    %dma_wait3A_122 = arith.constant 0 : i32
    %dma_wait3A_123 = tpu.memref_slice %arg3[%dma_wait3A_122] : memref<819200xi32, #tpu.memory_space<hbm>> -> memref<128xi32, #tpu.memory_space<hbm>>
    %dma_wait3A_124 = arith.constant 0 : i32
    %dma_wait3A_125 = tpu.memref_slice %arg3[%dma_wait3A_124] : memref<819200xi32, #tpu.memory_space<hbm>> -> memref<128xi32, #tpu.memory_space<hbm>>
    tpu.wait_dma2 semaphore(%arg37 : memref<!tpu.dma_semaphore, #tpu.memory_space<semaphore_mem>>) src(%dma_wait3A_125 : memref<128xi32, #tpu.memory_space<hbm>>) dst(%arg17 : memref<128xi32, #tpu.memory_space<vmem>>)
    %dma_wait3A_126 = arith.constant 0 : i32
    %dma_wait3A_127 = tpu.memref_slice %arg4[%dma_wait3A_126] : memref<819200xi32, #tpu.memory_space<hbm>> -> memref<128xi32, #tpu.memory_space<hbm>>
    %dma_wait3A_128 = arith.constant 0 : i32
    %dma_wait3A_129 = tpu.memref_slice %arg4[%dma_wait3A_128] : memref<819200xi32, #tpu.memory_space<hbm>> -> memref<128xi32, #tpu.memory_space<hbm>>
    tpu.wait_dma2 semaphore(%arg37 : memref<!tpu.dma_semaphore, #tpu.memory_space<semaphore_mem>>) src(%dma_wait3A_129 : memref<128xi32, #tpu.memory_space<hbm>>) dst(%arg22 : memref<128xi32, #tpu.memory_space<vmem>>)
    %dma_start3A_130 = arith.constant 0 : i32
    %dma_start3A_131 = arith.constant 0 : i32
    %dma_start3A_132 = tpu.memref_slice %arg5[%dma_start3A_130, %dma_start3A_131] : memref<100000x128xf32, #tpu.memory_space<hbm>> -> memref<100000x128xf32, #tpu.memory_space<hbm>>
    tpu.enqueue_indirect_dma source(%dma_start3A_132 : memref<100000x128xf32, #tpu.memory_space<hbm>>) target(%arg27 : memref<128x128xf32, #tpu.memory_space<vmem>>) offsets(%arg12 : memref<128xi32, #tpu.memory_space<vmem>>) semaphore(%arg32 : memref<!tpu.dma_semaphore, #tpu.memory_space<semaphore_mem>>)
    %dma_wait3A_133 = arith.constant 0 : i32
    %dma_wait3A_134 = arith.constant 0 : i32
    %dma_wait3A_135 = tpu.memref_slice %arg5[%dma_wait3A_133, %dma_wait3A_134] : memref<100000x128xf32, #tpu.memory_space<hbm>> -> memref<100000x128xf32, #tpu.memory_space<hbm>>
    tpu.wait_indirect_dma semaphore(%arg31 : memref<!tpu.dma_semaphore, #tpu.memory_space<semaphore_mem>>) src(%dma_wait3A_135 : memref<100000x128xf32, #tpu.memory_space<hbm>>) dst(%arg26 : memref<128x128xf32, #tpu.memory_space<vmem>>)
    %dma_start3A_136 = arith.constant 0 : i32
    %dma_start3A_137 = arith.constant 0 : i32
    %dma_start3A_138 = tpu.memref_slice %arg39[%dma_start3A_136, %dma_start3A_137] : memref<200x128xf32, #tpu.memory_space<vmem_shared>> -> memref<200x128xf32, #tpu.memory_space<vmem_shared>>
    tpu.enqueue_indirect_dma source(%dma_start3A_138 : memref<200x128xf32, #tpu.memory_space<vmem_shared>>) target(%arg26 : memref<128x128xf32, #tpu.memory_space<vmem>>) offsets(%arg16 : memref<128xi32, #tpu.memory_space<vmem>>) semaphore(%arg31 : memref<!tpu.dma_semaphore, #tpu.memory_space<semaphore_mem>>) {add = true}
    %dma_start3A_139 = arith.constant 0 : i32
    %dma_start3A_140 = arith.constant 0 : i32
    %dma_start3A_141 = tpu.memref_slice %arg40[%dma_start3A_139, %dma_start3A_140] : memref<64x128xf32, #tpu.memory_space<vmem_shared>> -> memref<64x128xf32, #tpu.memory_space<vmem_shared>>
    tpu.enqueue_indirect_dma source(%dma_start3A_141 : memref<64x128xf32, #tpu.memory_space<vmem_shared>>) target(%arg26 : memref<128x128xf32, #tpu.memory_space<vmem>>) offsets(%arg21 : memref<128xi32, #tpu.memory_space<vmem>>) semaphore(%arg31 : memref<!tpu.dma_semaphore, #tpu.memory_space<semaphore_mem>>) {add = true}
    %dma_wait3A_142 = arith.constant 0 : i32
    %dma_wait3A_143 = arith.constant 0 : i32
    %dma_wait3A_144 = tpu.memref_slice %arg39[%dma_wait3A_142, %dma_wait3A_143] : memref<200x128xf32, #tpu.memory_space<vmem_shared>> -> memref<200x128xf32, #tpu.memory_space<vmem_shared>>
    tpu.wait_indirect_dma semaphore(%arg30 : memref<!tpu.dma_semaphore, #tpu.memory_space<semaphore_mem>>) src(%dma_wait3A_144 : memref<200x128xf32, #tpu.memory_space<vmem_shared>>) dst(%arg25 : memref<128x128xf32, #tpu.memory_space<vmem>>)
    %dma_wait3A_145 = arith.constant 0 : i32
    %dma_wait3A_146 = arith.constant 0 : i32
    %dma_wait3A_147 = tpu.memref_slice %arg40[%dma_wait3A_145, %dma_wait3A_146] : memref<64x128xf32, #tpu.memory_space<vmem_shared>> -> memref<64x128xf32, #tpu.memory_space<vmem_shared>>
    tpu.wait_indirect_dma semaphore(%arg30 : memref<!tpu.dma_semaphore, #tpu.memory_space<semaphore_mem>>) src(%dma_wait3A_147 : memref<64x128xf32, #tpu.memory_space<vmem_shared>>) dst(%arg25 : memref<128x128xf32, #tpu.memory_space<vmem>>)
    %add3A_148 = arith.constant 128 : i32
    %add3A_149 = arith.addi %mul3A_2, %add3A_148 : i32
    %dma_start3A_150 = arith.constant 0 : i32
    %dma_start3A_151 = tpu.memref_slice %arg8[%add3A_149, %dma_start3A_150] : memref<819200x128xf32, #tpu.memory_space<hbm>> -> memref<128x128xf32, #tpu.memory_space<hbm>>
    %dma_start3A_152 = arith.constant 0 : i32
    %dma_start3A_153 = tpu.memref_slice %arg8[%add3A_149, %dma_start3A_152] : memref<819200x128xf32, #tpu.memory_space<hbm>> -> memref<128x128xf32, #tpu.memory_space<hbm>>
    tpu.enqueue_dma source(%arg25 : memref<128x128xf32, #tpu.memory_space<vmem>>) target(%dma_start3A_153 : memref<128x128xf32, #tpu.memory_space<hbm>>) target_semaphore(%arg30 : memref<!tpu.dma_semaphore, #tpu.memory_space<semaphore_mem>>)
    %scan3A = arith.constant 0 : i32
    %scan3A_154 = arith.constant 0 : i32
    %scan3A_155 = arith.constant 39 : i32
    %scan3A_156 = arith.addi %scan3A_154, %scan3A_155 : i32
    %scan3A_157 = arith.constant 1 : i32
    scf.for %scan3A_258 = %scan3A_154 to %scan3A_156 step %scan3A_157  : i32 {
      %mul3A_259 = arith.constant 5 : i32
      %mul3A_260 = arith.muli %scan3A_258, %mul3A_259 : i32
      %add3A_261 = arith.constant 2 : i32
      %add3A_262 = arith.addi %add3A_261, %mul3A_260 : i32
      %add3A_263 = arith.constant 0 : i32
      %add3A_264 = arith.addi %add3A_262, %add3A_263 : i32
      %add3A_265 = arith.constant 3 : i32
      %add3A_266 = arith.addi %add3A_264, %add3A_265 : i32
      %dma_wait3A_267 = arith.constant 0 : i32
      %dma_wait3A_268 = arith.constant 0 : i32
      %dma_wait3A_269 = tpu.memref_slice %arg8[%dma_wait3A_267, %dma_wait3A_268] : memref<819200x128xf32, #tpu.memory_space<hbm>> -> memref<128x128xf32, #tpu.memory_space<hbm>>
      %dma_wait3A_270 = arith.constant 0 : i32
      %dma_wait3A_271 = arith.constant 0 : i32
      %dma_wait3A_272 = tpu.memref_slice %arg8[%dma_wait3A_270, %dma_wait3A_271] : memref<819200x128xf32, #tpu.memory_space<hbm>> -> memref<128x128xf32, #tpu.memory_space<hbm>>
      tpu.wait_dma2 semaphore(%arg29 : memref<!tpu.dma_semaphore, #tpu.memory_space<semaphore_mem>>) src(%arg24 : memref<128x128xf32, #tpu.memory_space<vmem>>) dst(%dma_wait3A_272 : memref<128x128xf32, #tpu.memory_space<hbm>>)
      %mul3A_273 = arith.constant 128 : i32
      %mul3A_274 = arith.muli %add3A_266, %mul3A_273 : i32
      %add3A_275 = arith.addi %mul3A_2, %mul3A_274 : i32
      %dma_start3A_276 = tpu.memref_slice %arg2[%add3A_275] : memref<819200xi32, #tpu.memory_space<hbm>> -> memref<128xi32, #tpu.memory_space<hbm>>
      %dma_start3A_277 = tpu.memref_slice %arg2[%add3A_275] : memref<819200xi32, #tpu.memory_space<hbm>> -> memref<128xi32, #tpu.memory_space<hbm>>
      tpu.enqueue_dma source(%dma_start3A_277 : memref<128xi32, #tpu.memory_space<hbm>>) target(%arg9 : memref<128xi32, #tpu.memory_space<vmem>>) target_semaphore(%arg34 : memref<!tpu.dma_semaphore, #tpu.memory_space<semaphore_mem>>)
      %dma_start3A_278 = tpu.memref_slice %arg3[%add3A_275] : memref<819200xi32, #tpu.memory_space<hbm>> -> memref<128xi32, #tpu.memory_space<hbm>>
      %dma_start3A_279 = tpu.memref_slice %arg3[%add3A_275] : memref<819200xi32, #tpu.memory_space<hbm>> -> memref<128xi32, #tpu.memory_space<hbm>>
      tpu.enqueue_dma source(%dma_start3A_279 : memref<128xi32, #tpu.memory_space<hbm>>) target(%arg14 : memref<128xi32, #tpu.memory_space<vmem>>) target_semaphore(%arg34 : memref<!tpu.dma_semaphore, #tpu.memory_space<semaphore_mem>>)
      %dma_start3A_280 = tpu.memref_slice %arg4[%add3A_275] : memref<819200xi32, #tpu.memory_space<hbm>> -> memref<128xi32, #tpu.memory_space<hbm>>
      %dma_start3A_281 = tpu.memref_slice %arg4[%add3A_275] : memref<819200xi32, #tpu.memory_space<hbm>> -> memref<128xi32, #tpu.memory_space<hbm>>
      tpu.enqueue_dma source(%dma_start3A_281 : memref<128xi32, #tpu.memory_space<hbm>>) target(%arg19 : memref<128xi32, #tpu.memory_space<vmem>>) target_semaphore(%arg34 : memref<!tpu.dma_semaphore, #tpu.memory_space<semaphore_mem>>)
      %dma_wait3A_282 = arith.constant 0 : i32
      %dma_wait3A_283 = tpu.memref_slice %arg2[%dma_wait3A_282] : memref<819200xi32, #tpu.memory_space<hbm>> -> memref<128xi32, #tpu.memory_space<hbm>>
      %dma_wait3A_284 = arith.constant 0 : i32
      %dma_wait3A_285 = tpu.memref_slice %arg2[%dma_wait3A_284] : memref<819200xi32, #tpu.memory_space<hbm>> -> memref<128xi32, #tpu.memory_space<hbm>>
      tpu.wait_dma2 semaphore(%arg38 : memref<!tpu.dma_semaphore, #tpu.memory_space<semaphore_mem>>) src(%dma_wait3A_285 : memref<128xi32, #tpu.memory_space<hbm>>) dst(%arg13 : memref<128xi32, #tpu.memory_space<vmem>>)
      %dma_wait3A_286 = arith.constant 0 : i32
      %dma_wait3A_287 = tpu.memref_slice %arg3[%dma_wait3A_286] : memref<819200xi32, #tpu.memory_space<hbm>> -> memref<128xi32, #tpu.memory_space<hbm>>
      %dma_wait3A_288 = arith.constant 0 : i32
      %dma_wait3A_289 = tpu.memref_slice %arg3[%dma_wait3A_288] : memref<819200xi32, #tpu.memory_space<hbm>> -> memref<128xi32, #tpu.memory_space<hbm>>
      tpu.wait_dma2 semaphore(%arg38 : memref<!tpu.dma_semaphore, #tpu.memory_space<semaphore_mem>>) src(%dma_wait3A_289 : memref<128xi32, #tpu.memory_space<hbm>>) dst(%arg18 : memref<128xi32, #tpu.memory_space<vmem>>)
      %dma_wait3A_290 = arith.constant 0 : i32
      %dma_wait3A_291 = tpu.memref_slice %arg4[%dma_wait3A_290] : memref<819200xi32, #tpu.memory_space<hbm>> -> memref<128xi32, #tpu.memory_space<hbm>>
      %dma_wait3A_292 = arith.constant 0 : i32
      %dma_wait3A_293 = tpu.memref_slice %arg4[%dma_wait3A_292] : memref<819200xi32, #tpu.memory_space<hbm>> -> memref<128xi32, #tpu.memory_space<hbm>>
      tpu.wait_dma2 semaphore(%arg38 : memref<!tpu.dma_semaphore, #tpu.memory_space<semaphore_mem>>) src(%dma_wait3A_293 : memref<128xi32, #tpu.memory_space<hbm>>) dst(%arg23 : memref<128xi32, #tpu.memory_space<vmem>>)
      %dma_start3A_294 = arith.constant 0 : i32
      %dma_start3A_295 = arith.constant 0 : i32
      %dma_start3A_296 = tpu.memref_slice %arg5[%dma_start3A_294, %dma_start3A_295] : memref<100000x128xf32, #tpu.memory_space<hbm>> -> memref<100000x128xf32, #tpu.memory_space<hbm>>
      tpu.enqueue_indirect_dma source(%dma_start3A_296 : memref<100000x128xf32, #tpu.memory_space<hbm>>) target(%arg28 : memref<128x128xf32, #tpu.memory_space<vmem>>) offsets(%arg13 : memref<128xi32, #tpu.memory_space<vmem>>) semaphore(%arg33 : memref<!tpu.dma_semaphore, #tpu.memory_space<semaphore_mem>>)
      %dma_wait3A_297 = arith.constant 0 : i32
      %dma_wait3A_298 = arith.constant 0 : i32
      %dma_wait3A_299 = tpu.memref_slice %arg5[%dma_wait3A_297, %dma_wait3A_298] : memref<100000x128xf32, #tpu.memory_space<hbm>> -> memref<100000x128xf32, #tpu.memory_space<hbm>>
      tpu.wait_indirect_dma semaphore(%arg32 : memref<!tpu.dma_semaphore, #tpu.memory_space<semaphore_mem>>) src(%dma_wait3A_299 : memref<100000x128xf32, #tpu.memory_space<hbm>>) dst(%arg27 : memref<128x128xf32, #tpu.memory_space<vmem>>)
      %dma_start3A_300 = arith.constant 0 : i32
      %dma_start3A_301 = arith.constant 0 : i32
      %dma_start3A_302 = tpu.memref_slice %arg39[%dma_start3A_300, %dma_start3A_301] : memref<200x128xf32, #tpu.memory_space<vmem_shared>> -> memref<200x128xf32, #tpu.memory_space<vmem_shared>>
      tpu.enqueue_indirect_dma source(%dma_start3A_302 : memref<200x128xf32, #tpu.memory_space<vmem_shared>>) target(%arg27 : memref<128x128xf32, #tpu.memory_space<vmem>>) offsets(%arg17 : memref<128xi32, #tpu.memory_space<vmem>>) semaphore(%arg32 : memref<!tpu.dma_semaphore, #tpu.memory_space<semaphore_mem>>) {add = true}
      %dma_start3A_303 = arith.constant 0 : i32
      %dma_start3A_304 = arith.constant 0 : i32
      %dma_start3A_305 = tpu.memref_slice %arg40[%dma_start3A_303, %dma_start3A_304] : memref<64x128xf32, #tpu.memory_space<vmem_shared>> -> memref<64x128xf32, #tpu.memory_space<vmem_shared>>
      tpu.enqueue_indirect_dma source(%dma_start3A_305 : memref<64x128xf32, #tpu.memory_space<vmem_shared>>) target(%arg27 : memref<128x128xf32, #tpu.memory_space<vmem>>) offsets(%arg22 : memref<128xi32, #tpu.memory_space<vmem>>) semaphore(%arg32 : memref<!tpu.dma_semaphore, #tpu.memory_space<semaphore_mem>>) {add = true}
      %dma_wait3A_306 = arith.constant 0 : i32
      %dma_wait3A_307 = arith.constant 0 : i32
      %dma_wait3A_308 = tpu.memref_slice %arg39[%dma_wait3A_306, %dma_wait3A_307] : memref<200x128xf32, #tpu.memory_space<vmem_shared>> -> memref<200x128xf32, #tpu.memory_space<vmem_shared>>
      tpu.wait_indirect_dma semaphore(%arg31 : memref<!tpu.dma_semaphore, #tpu.memory_space<semaphore_mem>>) src(%dma_wait3A_308 : memref<200x128xf32, #tpu.memory_space<vmem_shared>>) dst(%arg26 : memref<128x128xf32, #tpu.memory_space<vmem>>)
      %dma_wait3A_309 = arith.constant 0 : i32
      %dma_wait3A_310 = arith.constant 0 : i32
      %dma_wait3A_311 = tpu.memref_slice %arg40[%dma_wait3A_309, %dma_wait3A_310] : memref<64x128xf32, #tpu.memory_space<vmem_shared>> -> memref<64x128xf32, #tpu.memory_space<vmem_shared>>
      tpu.wait_indirect_dma semaphore(%arg31 : memref<!tpu.dma_semaphore, #tpu.memory_space<semaphore_mem>>) src(%dma_wait3A_311 : memref<64x128xf32, #tpu.memory_space<vmem_shared>>) dst(%arg26 : memref<128x128xf32, #tpu.memory_space<vmem>>)
      %mul3A_312 = arith.constant 128 : i32
      %mul3A_313 = arith.muli %add3A_264, %mul3A_312 : i32
      %add3A_314 = arith.addi %mul3A_2, %mul3A_313 : i32
      %dma_start3A_315 = arith.constant 0 : i32
      %dma_start3A_316 = tpu.memref_slice %arg8[%add3A_314, %dma_start3A_315] : memref<819200x128xf32, #tpu.memory_space<hbm>> -> memref<128x128xf32, #tpu.memory_space<hbm>>
      %dma_start3A_317 = arith.constant 0 : i32
      %dma_start3A_318 = tpu.memref_slice %arg8[%add3A_314, %dma_start3A_317] : memref<819200x128xf32, #tpu.memory_space<hbm>> -> memref<128x128xf32, #tpu.memory_space<hbm>>
      tpu.enqueue_dma source(%arg26 : memref<128x128xf32, #tpu.memory_space<vmem>>) target(%dma_start3A_318 : memref<128x128xf32, #tpu.memory_space<hbm>>) target_semaphore(%arg31 : memref<!tpu.dma_semaphore, #tpu.memory_space<semaphore_mem>>)
      %add3A_319 = arith.constant 1 : i32
      %add3A_320 = arith.addi %add3A_262, %add3A_319 : i32
      %add3A_321 = arith.constant 3 : i32
      %add3A_322 = arith.addi %add3A_320, %add3A_321 : i32
      %dma_wait3A_323 = arith.constant 0 : i32
      %dma_wait3A_324 = arith.constant 0 : i32
      %dma_wait3A_325 = tpu.memref_slice %arg8[%dma_wait3A_323, %dma_wait3A_324] : memref<819200x128xf32, #tpu.memory_space<hbm>> -> memref<128x128xf32, #tpu.memory_space<hbm>>
      %dma_wait3A_326 = arith.constant 0 : i32
      %dma_wait3A_327 = arith.constant 0 : i32
      %dma_wait3A_328 = tpu.memref_slice %arg8[%dma_wait3A_326, %dma_wait3A_327] : memref<819200x128xf32, #tpu.memory_space<hbm>> -> memref<128x128xf32, #tpu.memory_space<hbm>>
      tpu.wait_dma2 semaphore(%arg30 : memref<!tpu.dma_semaphore, #tpu.memory_space<semaphore_mem>>) src(%arg25 : memref<128x128xf32, #tpu.memory_space<vmem>>) dst(%dma_wait3A_328 : memref<128x128xf32, #tpu.memory_space<hbm>>)
      %mul3A_329 = arith.constant 128 : i32
      %mul3A_330 = arith.muli %add3A_322, %mul3A_329 : i32
      %add3A_331 = arith.addi %mul3A_2, %mul3A_330 : i32
      %dma_start3A_332 = tpu.memref_slice %arg2[%add3A_331] : memref<819200xi32, #tpu.memory_space<hbm>> -> memref<128xi32, #tpu.memory_space<hbm>>
      %dma_start3A_333 = tpu.memref_slice %arg2[%add3A_331] : memref<819200xi32, #tpu.memory_space<hbm>> -> memref<128xi32, #tpu.memory_space<hbm>>
      tpu.enqueue_dma source(%dma_start3A_333 : memref<128xi32, #tpu.memory_space<hbm>>) target(%arg10 : memref<128xi32, #tpu.memory_space<vmem>>) target_semaphore(%arg35 : memref<!tpu.dma_semaphore, #tpu.memory_space<semaphore_mem>>)
      %dma_start3A_334 = tpu.memref_slice %arg3[%add3A_331] : memref<819200xi32, #tpu.memory_space<hbm>> -> memref<128xi32, #tpu.memory_space<hbm>>
      %dma_start3A_335 = tpu.memref_slice %arg3[%add3A_331] : memref<819200xi32, #tpu.memory_space<hbm>> -> memref<128xi32, #tpu.memory_space<hbm>>
      tpu.enqueue_dma source(%dma_start3A_335 : memref<128xi32, #tpu.memory_space<hbm>>) target(%arg15 : memref<128xi32, #tpu.memory_space<vmem>>) target_semaphore(%arg35 : memref<!tpu.dma_semaphore, #tpu.memory_space<semaphore_mem>>)
      %dma_start3A_336 = tpu.memref_slice %arg4[%add3A_331] : memref<819200xi32, #tpu.memory_space<hbm>> -> memref<128xi32, #tpu.memory_space<hbm>>
      %dma_start3A_337 = tpu.memref_slice %arg4[%add3A_331] : memref<819200xi32, #tpu.memory_space<hbm>> -> memref<128xi32, #tpu.memory_space<hbm>>
      tpu.enqueue_dma source(%dma_start3A_337 : memref<128xi32, #tpu.memory_space<hbm>>) target(%arg20 : memref<128xi32, #tpu.memory_space<vmem>>) target_semaphore(%arg35 : memref<!tpu.dma_semaphore, #tpu.memory_space<semaphore_mem>>)
      %dma_wait3A_338 = arith.constant 0 : i32
      %dma_wait3A_339 = tpu.memref_slice %arg2[%dma_wait3A_338] : memref<819200xi32, #tpu.memory_space<hbm>> -> memref<128xi32, #tpu.memory_space<hbm>>
      %dma_wait3A_340 = arith.constant 0 : i32
      %dma_wait3A_341 = tpu.memref_slice %arg2[%dma_wait3A_340] : memref<819200xi32, #tpu.memory_space<hbm>> -> memref<128xi32, #tpu.memory_space<hbm>>
      tpu.wait_dma2 semaphore(%arg34 : memref<!tpu.dma_semaphore, #tpu.memory_space<semaphore_mem>>) src(%dma_wait3A_341 : memref<128xi32, #tpu.memory_space<hbm>>) dst(%arg9 : memref<128xi32, #tpu.memory_space<vmem>>)
      %dma_wait3A_342 = arith.constant 0 : i32
      %dma_wait3A_343 = tpu.memref_slice %arg3[%dma_wait3A_342] : memref<819200xi32, #tpu.memory_space<hbm>> -> memref<128xi32, #tpu.memory_space<hbm>>
      %dma_wait3A_344 = arith.constant 0 : i32
      %dma_wait3A_345 = tpu.memref_slice %arg3[%dma_wait3A_344] : memref<819200xi32, #tpu.memory_space<hbm>> -> memref<128xi32, #tpu.memory_space<hbm>>
      tpu.wait_dma2 semaphore(%arg34 : memref<!tpu.dma_semaphore, #tpu.memory_space<semaphore_mem>>) src(%dma_wait3A_345 : memref<128xi32, #tpu.memory_space<hbm>>) dst(%arg14 : memref<128xi32, #tpu.memory_space<vmem>>)
      %dma_wait3A_346 = arith.constant 0 : i32
      %dma_wait3A_347 = tpu.memref_slice %arg4[%dma_wait3A_346] : memref<819200xi32, #tpu.memory_space<hbm>> -> memref<128xi32, #tpu.memory_space<hbm>>
      %dma_wait3A_348 = arith.constant 0 : i32
      %dma_wait3A_349 = tpu.memref_slice %arg4[%dma_wait3A_348] : memref<819200xi32, #tpu.memory_space<hbm>> -> memref<128xi32, #tpu.memory_space<hbm>>
      tpu.wait_dma2 semaphore(%arg34 : memref<!tpu.dma_semaphore, #tpu.memory_space<semaphore_mem>>) src(%dma_wait3A_349 : memref<128xi32, #tpu.memory_space<hbm>>) dst(%arg19 : memref<128xi32, #tpu.memory_space<vmem>>)
      %dma_start3A_350 = arith.constant 0 : i32
      %dma_start3A_351 = arith.constant 0 : i32
      %dma_start3A_352 = tpu.memref_slice %arg5[%dma_start3A_350, %dma_start3A_351] : memref<100000x128xf32, #tpu.memory_space<hbm>> -> memref<100000x128xf32, #tpu.memory_space<hbm>>
      tpu.enqueue_indirect_dma source(%dma_start3A_352 : memref<100000x128xf32, #tpu.memory_space<hbm>>) target(%arg24 : memref<128x128xf32, #tpu.memory_space<vmem>>) offsets(%arg9 : memref<128xi32, #tpu.memory_space<vmem>>) semaphore(%arg29 : memref<!tpu.dma_semaphore, #tpu.memory_space<semaphore_mem>>)
      %dma_wait3A_353 = arith.constant 0 : i32
      %dma_wait3A_354 = arith.constant 0 : i32
      %dma_wait3A_355 = tpu.memref_slice %arg5[%dma_wait3A_353, %dma_wait3A_354] : memref<100000x128xf32, #tpu.memory_space<hbm>> -> memref<100000x128xf32, #tpu.memory_space<hbm>>
      tpu.wait_indirect_dma semaphore(%arg33 : memref<!tpu.dma_semaphore, #tpu.memory_space<semaphore_mem>>) src(%dma_wait3A_355 : memref<100000x128xf32, #tpu.memory_space<hbm>>) dst(%arg28 : memref<128x128xf32, #tpu.memory_space<vmem>>)
      %dma_start3A_356 = arith.constant 0 : i32
      %dma_start3A_357 = arith.constant 0 : i32
      %dma_start3A_358 = tpu.memref_slice %arg39[%dma_start3A_356, %dma_start3A_357] : memref<200x128xf32, #tpu.memory_space<vmem_shared>> -> memref<200x128xf32, #tpu.memory_space<vmem_shared>>
      tpu.enqueue_indirect_dma source(%dma_start3A_358 : memref<200x128xf32, #tpu.memory_space<vmem_shared>>) target(%arg28 : memref<128x128xf32, #tpu.memory_space<vmem>>) offsets(%arg18 : memref<128xi32, #tpu.memory_space<vmem>>) semaphore(%arg33 : memref<!tpu.dma_semaphore, #tpu.memory_space<semaphore_mem>>) {add = true}
      %dma_start3A_359 = arith.constant 0 : i32
      %dma_start3A_360 = arith.constant 0 : i32
      %dma_start3A_361 = tpu.memref_slice %arg40[%dma_start3A_359, %dma_start3A_360] : memref<64x128xf32, #tpu.memory_space<vmem_shared>> -> memref<64x128xf32, #tpu.memory_space<vmem_shared>>
      tpu.enqueue_indirect_dma source(%dma_start3A_361 : memref<64x128xf32, #tpu.memory_space<vmem_shared>>) target(%arg28 : memref<128x128xf32, #tpu.memory_space<vmem>>) offsets(%arg23 : memref<128xi32, #tpu.memory_space<vmem>>) semaphore(%arg33 : memref<!tpu.dma_semaphore, #tpu.memory_space<semaphore_mem>>) {add = true}
      %dma_wait3A_362 = arith.constant 0 : i32
      %dma_wait3A_363 = arith.constant 0 : i32
      %dma_wait3A_364 = tpu.memref_slice %arg39[%dma_wait3A_362, %dma_wait3A_363] : memref<200x128xf32, #tpu.memory_space<vmem_shared>> -> memref<200x128xf32, #tpu.memory_space<vmem_shared>>
      tpu.wait_indirect_dma semaphore(%arg32 : memref<!tpu.dma_semaphore, #tpu.memory_space<semaphore_mem>>) src(%dma_wait3A_364 : memref<200x128xf32, #tpu.memory_space<vmem_shared>>) dst(%arg27 : memref<128x128xf32, #tpu.memory_space<vmem>>)
      %dma_wait3A_365 = arith.constant 0 : i32
      %dma_wait3A_366 = arith.constant 0 : i32
      %dma_wait3A_367 = tpu.memref_slice %arg40[%dma_wait3A_365, %dma_wait3A_366] : memref<64x128xf32, #tpu.memory_space<vmem_shared>> -> memref<64x128xf32, #tpu.memory_space<vmem_shared>>
      tpu.wait_indirect_dma semaphore(%arg32 : memref<!tpu.dma_semaphore, #tpu.memory_space<semaphore_mem>>) src(%dma_wait3A_367 : memref<64x128xf32, #tpu.memory_space<vmem_shared>>) dst(%arg27 : memref<128x128xf32, #tpu.memory_space<vmem>>)
      %mul3A_368 = arith.constant 128 : i32
      %mul3A_369 = arith.muli %add3A_320, %mul3A_368 : i32
      %add3A_370 = arith.addi %mul3A_2, %mul3A_369 : i32
      %dma_start3A_371 = arith.constant 0 : i32
      %dma_start3A_372 = tpu.memref_slice %arg8[%add3A_370, %dma_start3A_371] : memref<819200x128xf32, #tpu.memory_space<hbm>> -> memref<128x128xf32, #tpu.memory_space<hbm>>
      %dma_start3A_373 = arith.constant 0 : i32
      %dma_start3A_374 = tpu.memref_slice %arg8[%add3A_370, %dma_start3A_373] : memref<819200x128xf32, #tpu.memory_space<hbm>> -> memref<128x128xf32, #tpu.memory_space<hbm>>
      tpu.enqueue_dma source(%arg27 : memref<128x128xf32, #tpu.memory_space<vmem>>) target(%dma_start3A_374 : memref<128x128xf32, #tpu.memory_space<hbm>>) target_semaphore(%arg32 : memref<!tpu.dma_semaphore, #tpu.memory_space<semaphore_mem>>)
      %add3A_375 = arith.constant 2 : i32
      %add3A_376 = arith.addi %add3A_262, %add3A_375 : i32
      %add3A_377 = arith.constant 3 : i32
      %add3A_378 = arith.addi %add3A_376, %add3A_377 : i32
      %dma_wait3A_379 = arith.constant 0 : i32
      %dma_wait3A_380 = arith.constant 0 : i32
      %dma_wait3A_381 = tpu.memref_slice %arg8[%dma_wait3A_379, %dma_wait3A_380] : memref<819200x128xf32, #tpu.memory_space<hbm>> -> memref<128x128xf32, #tpu.memory_space<hbm>>
      %dma_wait3A_382 = arith.constant 0 : i32
      %dma_wait3A_383 = arith.constant 0 : i32
      %dma_wait3A_384 = tpu.memref_slice %arg8[%dma_wait3A_382, %dma_wait3A_383] : memref<819200x128xf32, #tpu.memory_space<hbm>> -> memref<128x128xf32, #tpu.memory_space<hbm>>
      tpu.wait_dma2 semaphore(%arg31 : memref<!tpu.dma_semaphore, #tpu.memory_space<semaphore_mem>>) src(%arg26 : memref<128x128xf32, #tpu.memory_space<vmem>>) dst(%dma_wait3A_384 : memref<128x128xf32, #tpu.memory_space<hbm>>)
      %mul3A_385 = arith.constant 128 : i32
      %mul3A_386 = arith.muli %add3A_378, %mul3A_385 : i32
      %add3A_387 = arith.addi %mul3A_2, %mul3A_386 : i32
      %dma_start3A_388 = tpu.memref_slice %arg2[%add3A_387] : memref<819200xi32, #tpu.memory_space<hbm>> -> memref<128xi32, #tpu.memory_space<hbm>>
      %dma_start3A_389 = tpu.memref_slice %arg2[%add3A_387] : memref<819200xi32, #tpu.memory_space<hbm>> -> memref<128xi32, #tpu.memory_space<hbm>>
      tpu.enqueue_dma source(%dma_start3A_389 : memref<128xi32, #tpu.memory_space<hbm>>) target(%arg11 : memref<128xi32, #tpu.memory_space<vmem>>) target_semaphore(%arg36 : memref<!tpu.dma_semaphore, #tpu.memory_space<semaphore_mem>>)
      %dma_start3A_390 = tpu.memref_slice %arg3[%add3A_387] : memref<819200xi32, #tpu.memory_space<hbm>> -> memref<128xi32, #tpu.memory_space<hbm>>
      %dma_start3A_391 = tpu.memref_slice %arg3[%add3A_387] : memref<819200xi32, #tpu.memory_space<hbm>> -> memref<128xi32, #tpu.memory_space<hbm>>
      tpu.enqueue_dma source(%dma_start3A_391 : memref<128xi32, #tpu.memory_space<hbm>>) target(%arg16 : memref<128xi32, #tpu.memory_space<vmem>>) target_semaphore(%arg36 : memref<!tpu.dma_semaphore, #tpu.memory_space<semaphore_mem>>)
      %dma_start3A_392 = tpu.memref_slice %arg4[%add3A_387] : memref<819200xi32, #tpu.memory_space<hbm>> -> memref<128xi32, #tpu.memory_space<hbm>>
      %dma_start3A_393 = tpu.memref_slice %arg4[%add3A_387] : memref<819200xi32, #tpu.memory_space<hbm>> -> memref<128xi32, #tpu.memory_space<hbm>>
      tpu.enqueue_dma source(%dma_start3A_393 : memref<128xi32, #tpu.memory_space<hbm>>) target(%arg21 : memref<128xi32, #tpu.memory_space<vmem>>) target_semaphore(%arg36 : memref<!tpu.dma_semaphore, #tpu.memory_space<semaphore_mem>>)
      %dma_wait3A_394 = arith.constant 0 : i32
      %dma_wait3A_395 = tpu.memref_slice %arg2[%dma_wait3A_394] : memref<819200xi32, #tpu.memory_space<hbm>> -> memref<128xi32, #tpu.memory_space<hbm>>
      %dma_wait3A_396 = arith.constant 0 : i32
      %dma_wait3A_397 = tpu.memref_slice %arg2[%dma_wait3A_396] : memref<819200xi32, #tpu.memory_space<hbm>> -> memref<128xi32, #tpu.memory_space<hbm>>
      tpu.wait_dma2 semaphore(%arg35 : memref<!tpu.dma_semaphore, #tpu.memory_space<semaphore_mem>>) src(%dma_wait3A_397 : memref<128xi32, #tpu.memory_space<hbm>>) dst(%arg10 : memref<128xi32, #tpu.memory_space<vmem>>)
      %dma_wait3A_398 = arith.constant 0 : i32
      %dma_wait3A_399 = tpu.memref_slice %arg3[%dma_wait3A_398] : memref<819200xi32, #tpu.memory_space<hbm>> -> memref<128xi32, #tpu.memory_space<hbm>>
      %dma_wait3A_400 = arith.constant 0 : i32
      %dma_wait3A_401 = tpu.memref_slice %arg3[%dma_wait3A_400] : memref<819200xi32, #tpu.memory_space<hbm>> -> memref<128xi32, #tpu.memory_space<hbm>>
      tpu.wait_dma2 semaphore(%arg35 : memref<!tpu.dma_semaphore, #tpu.memory_space<semaphore_mem>>) src(%dma_wait3A_401 : memref<128xi32, #tpu.memory_space<hbm>>) dst(%arg15 : memref<128xi32, #tpu.memory_space<vmem>>)
      %dma_wait3A_402 = arith.constant 0 : i32
      %dma_wait3A_403 = tpu.memref_slice %arg4[%dma_wait3A_402] : memref<819200xi32, #tpu.memory_space<hbm>> -> memref<128xi32, #tpu.memory_space<hbm>>
      %dma_wait3A_404 = arith.constant 0 : i32
      %dma_wait3A_405 = tpu.memref_slice %arg4[%dma_wait3A_404] : memref<819200xi32, #tpu.memory_space<hbm>> -> memref<128xi32, #tpu.memory_space<hbm>>
      tpu.wait_dma2 semaphore(%arg35 : memref<!tpu.dma_semaphore, #tpu.memory_space<semaphore_mem>>) src(%dma_wait3A_405 : memref<128xi32, #tpu.memory_space<hbm>>) dst(%arg20 : memref<128xi32, #tpu.memory_space<vmem>>)
      %dma_start3A_406 = arith.constant 0 : i32
      %dma_start3A_407 = arith.constant 0 : i32
      %dma_start3A_408 = tpu.memref_slice %arg5[%dma_start3A_406, %dma_start3A_407] : memref<100000x128xf32, #tpu.memory_space<hbm>> -> memref<100000x128xf32, #tpu.memory_space<hbm>>
      tpu.enqueue_indirect_dma source(%dma_start3A_408 : memref<100000x128xf32, #tpu.memory_space<hbm>>) target(%arg25 : memref<128x128xf32, #tpu.memory_space<vmem>>) offsets(%arg10 : memref<128xi32, #tpu.memory_space<vmem>>) semaphore(%arg30 : memref<!tpu.dma_semaphore, #tpu.memory_space<semaphore_mem>>)
      %dma_wait3A_409 = arith.constant 0 : i32
      %dma_wait3A_410 = arith.constant 0 : i32
      %dma_wait3A_411 = tpu.memref_slice %arg5[%dma_wait3A_409, %dma_wait3A_410] : memref<100000x128xf32, #tpu.memory_space<hbm>> -> memref<100000x128xf32, #tpu.memory_space<hbm>>
      tpu.wait_indirect_dma semaphore(%arg29 : memref<!tpu.dma_semaphore, #tpu.memory_space<semaphore_mem>>) src(%dma_wait3A_411 : memref<100000x128xf32, #tpu.memory_space<hbm>>) dst(%arg24 : memref<128x128xf32, #tpu.memory_space<vmem>>)
      %dma_start3A_412 = arith.constant 0 : i32
      %dma_start3A_413 = arith.constant 0 : i32
      %dma_start3A_414 = tpu.memref_slice %arg39[%dma_start3A_412, %dma_start3A_413] : memref<200x128xf32, #tpu.memory_space<vmem_shared>> -> memref<200x128xf32, #tpu.memory_space<vmem_shared>>
      tpu.enqueue_indirect_dma source(%dma_start3A_414 : memref<200x128xf32, #tpu.memory_space<vmem_shared>>) target(%arg24 : memref<128x128xf32, #tpu.memory_space<vmem>>) offsets(%arg14 : memref<128xi32, #tpu.memory_space<vmem>>) semaphore(%arg29 : memref<!tpu.dma_semaphore, #tpu.memory_space<semaphore_mem>>) {add = true}
      %dma_start3A_415 = arith.constant 0 : i32
      %dma_start3A_416 = arith.constant 0 : i32
      %dma_start3A_417 = tpu.memref_slice %arg40[%dma_start3A_415, %dma_start3A_416] : memref<64x128xf32, #tpu.memory_space<vmem_shared>> -> memref<64x128xf32, #tpu.memory_space<vmem_shared>>
      tpu.enqueue_indirect_dma source(%dma_start3A_417 : memref<64x128xf32, #tpu.memory_space<vmem_shared>>) target(%arg24 : memref<128x128xf32, #tpu.memory_space<vmem>>) offsets(%arg19 : memref<128xi32, #tpu.memory_space<vmem>>) semaphore(%arg29 : memref<!tpu.dma_semaphore, #tpu.memory_space<semaphore_mem>>) {add = true}
      %dma_wait3A_418 = arith.constant 0 : i32
      %dma_wait3A_419 = arith.constant 0 : i32
      %dma_wait3A_420 = tpu.memref_slice %arg39[%dma_wait3A_418, %dma_wait3A_419] : memref<200x128xf32, #tpu.memory_space<vmem_shared>> -> memref<200x128xf32, #tpu.memory_space<vmem_shared>>
      tpu.wait_indirect_dma semaphore(%arg33 : memref<!tpu.dma_semaphore, #tpu.memory_space<semaphore_mem>>) src(%dma_wait3A_420 : memref<200x128xf32, #tpu.memory_space<vmem_shared>>) dst(%arg28 : memref<128x128xf32, #tpu.memory_space<vmem>>)
      %dma_wait3A_421 = arith.constant 0 : i32
      %dma_wait3A_422 = arith.constant 0 : i32
      %dma_wait3A_423 = tpu.memref_slice %arg40[%dma_wait3A_421, %dma_wait3A_422] : memref<64x128xf32, #tpu.memory_space<vmem_shared>> -> memref<64x128xf32, #tpu.memory_space<vmem_shared>>
      tpu.wait_indirect_dma semaphore(%arg33 : memref<!tpu.dma_semaphore, #tpu.memory_space<semaphore_mem>>) src(%dma_wait3A_423 : memref<64x128xf32, #tpu.memory_space<vmem_shared>>) dst(%arg28 : memref<128x128xf32, #tpu.memory_space<vmem>>)
      %mul3A_424 = arith.constant 128 : i32
      %mul3A_425 = arith.muli %add3A_376, %mul3A_424 : i32
      %add3A_426 = arith.addi %mul3A_2, %mul3A_425 : i32
      %dma_start3A_427 = arith.constant 0 : i32
      %dma_start3A_428 = tpu.memref_slice %arg8[%add3A_426, %dma_start3A_427] : memref<819200x128xf32, #tpu.memory_space<hbm>> -> memref<128x128xf32, #tpu.memory_space<hbm>>
      %dma_start3A_429 = arith.constant 0 : i32
      %dma_start3A_430 = tpu.memref_slice %arg8[%add3A_426, %dma_start3A_429] : memref<819200x128xf32, #tpu.memory_space<hbm>> -> memref<128x128xf32, #tpu.memory_space<hbm>>
      tpu.enqueue_dma source(%arg28 : memref<128x128xf32, #tpu.memory_space<vmem>>) target(%dma_start3A_430 : memref<128x128xf32, #tpu.memory_space<hbm>>) target_semaphore(%arg33 : memref<!tpu.dma_semaphore, #tpu.memory_space<semaphore_mem>>)
      %add3A_431 = arith.constant 3 : i32
      %add3A_432 = arith.addi %add3A_262, %add3A_431 : i32
      %add3A_433 = arith.constant 3 : i32
      %add3A_434 = arith.addi %add3A_432, %add3A_433 : i32
      %dma_wait3A_435 = arith.constant 0 : i32
      %dma_wait3A_436 = arith.constant 0 : i32
      %dma_wait3A_437 = tpu.memref_slice %arg8[%dma_wait3A_435, %dma_wait3A_436] : memref<819200x128xf32, #tpu.memory_space<hbm>> -> memref<128x128xf32, #tpu.memory_space<hbm>>
      %dma_wait3A_438 = arith.constant 0 : i32
      %dma_wait3A_439 = arith.constant 0 : i32
      %dma_wait3A_440 = tpu.memref_slice %arg8[%dma_wait3A_438, %dma_wait3A_439] : memref<819200x128xf32, #tpu.memory_space<hbm>> -> memref<128x128xf32, #tpu.memory_space<hbm>>
      tpu.wait_dma2 semaphore(%arg32 : memref<!tpu.dma_semaphore, #tpu.memory_space<semaphore_mem>>) src(%arg27 : memref<128x128xf32, #tpu.memory_space<vmem>>) dst(%dma_wait3A_440 : memref<128x128xf32, #tpu.memory_space<hbm>>)
      %mul3A_441 = arith.constant 128 : i32
      %mul3A_442 = arith.muli %add3A_434, %mul3A_441 : i32
      %add3A_443 = arith.addi %mul3A_2, %mul3A_442 : i32
      %dma_start3A_444 = tpu.memref_slice %arg2[%add3A_443] : memref<819200xi32, #tpu.memory_space<hbm>> -> memref<128xi32, #tpu.memory_space<hbm>>
      %dma_start3A_445 = tpu.memref_slice %arg2[%add3A_443] : memref<819200xi32, #tpu.memory_space<hbm>> -> memref<128xi32, #tpu.memory_space<hbm>>
      tpu.enqueue_dma source(%dma_start3A_445 : memref<128xi32, #tpu.memory_space<hbm>>) target(%arg12 : memref<128xi32, #tpu.memory_space<vmem>>) target_semaphore(%arg37 : memref<!tpu.dma_semaphore, #tpu.memory_space<semaphore_mem>>)
      %dma_start3A_446 = tpu.memref_slice %arg3[%add3A_443] : memref<819200xi32, #tpu.memory_space<hbm>> -> memref<128xi32, #tpu.memory_space<hbm>>
      %dma_start3A_447 = tpu.memref_slice %arg3[%add3A_443] : memref<819200xi32, #tpu.memory_space<hbm>> -> memref<128xi32, #tpu.memory_space<hbm>>
      tpu.enqueue_dma source(%dma_start3A_447 : memref<128xi32, #tpu.memory_space<hbm>>) target(%arg17 : memref<128xi32, #tpu.memory_space<vmem>>) target_semaphore(%arg37 : memref<!tpu.dma_semaphore, #tpu.memory_space<semaphore_mem>>)
      %dma_start3A_448 = tpu.memref_slice %arg4[%add3A_443] : memref<819200xi32, #tpu.memory_space<hbm>> -> memref<128xi32, #tpu.memory_space<hbm>>
      %dma_start3A_449 = tpu.memref_slice %arg4[%add3A_443] : memref<819200xi32, #tpu.memory_space<hbm>> -> memref<128xi32, #tpu.memory_space<hbm>>
      tpu.enqueue_dma source(%dma_start3A_449 : memref<128xi32, #tpu.memory_space<hbm>>) target(%arg22 : memref<128xi32, #tpu.memory_space<vmem>>) target_semaphore(%arg37 : memref<!tpu.dma_semaphore, #tpu.memory_space<semaphore_mem>>)
      %dma_wait3A_450 = arith.constant 0 : i32
      %dma_wait3A_451 = tpu.memref_slice %arg2[%dma_wait3A_450] : memref<819200xi32, #tpu.memory_space<hbm>> -> memref<128xi32, #tpu.memory_space<hbm>>
      %dma_wait3A_452 = arith.constant 0 : i32
      %dma_wait3A_453 = tpu.memref_slice %arg2[%dma_wait3A_452] : memref<819200xi32, #tpu.memory_space<hbm>> -> memref<128xi32, #tpu.memory_space<hbm>>
      tpu.wait_dma2 semaphore(%arg36 : memref<!tpu.dma_semaphore, #tpu.memory_space<semaphore_mem>>) src(%dma_wait3A_453 : memref<128xi32, #tpu.memory_space<hbm>>) dst(%arg11 : memref<128xi32, #tpu.memory_space<vmem>>)
      %dma_wait3A_454 = arith.constant 0 : i32
      %dma_wait3A_455 = tpu.memref_slice %arg3[%dma_wait3A_454] : memref<819200xi32, #tpu.memory_space<hbm>> -> memref<128xi32, #tpu.memory_space<hbm>>
      %dma_wait3A_456 = arith.constant 0 : i32
      %dma_wait3A_457 = tpu.memref_slice %arg3[%dma_wait3A_456] : memref<819200xi32, #tpu.memory_space<hbm>> -> memref<128xi32, #tpu.memory_space<hbm>>
      tpu.wait_dma2 semaphore(%arg36 : memref<!tpu.dma_semaphore, #tpu.memory_space<semaphore_mem>>) src(%dma_wait3A_457 : memref<128xi32, #tpu.memory_space<hbm>>) dst(%arg16 : memref<128xi32, #tpu.memory_space<vmem>>)
      %dma_wait3A_458 = arith.constant 0 : i32
      %dma_wait3A_459 = tpu.memref_slice %arg4[%dma_wait3A_458] : memref<819200xi32, #tpu.memory_space<hbm>> -> memref<128xi32, #tpu.memory_space<hbm>>
      %dma_wait3A_460 = arith.constant 0 : i32
      %dma_wait3A_461 = tpu.memref_slice %arg4[%dma_wait3A_460] : memref<819200xi32, #tpu.memory_space<hbm>> -> memref<128xi32, #tpu.memory_space<hbm>>
      tpu.wait_dma2 semaphore(%arg36 : memref<!tpu.dma_semaphore, #tpu.memory_space<semaphore_mem>>) src(%dma_wait3A_461 : memref<128xi32, #tpu.memory_space<hbm>>) dst(%arg21 : memref<128xi32, #tpu.memory_space<vmem>>)
      %dma_start3A_462 = arith.constant 0 : i32
      %dma_start3A_463 = arith.constant 0 : i32
      %dma_start3A_464 = tpu.memref_slice %arg5[%dma_start3A_462, %dma_start3A_463] : memref<100000x128xf32, #tpu.memory_space<hbm>> -> memref<100000x128xf32, #tpu.memory_space<hbm>>
      tpu.enqueue_indirect_dma source(%dma_start3A_464 : memref<100000x128xf32, #tpu.memory_space<hbm>>) target(%arg26 : memref<128x128xf32, #tpu.memory_space<vmem>>) offsets(%arg11 : memref<128xi32, #tpu.memory_space<vmem>>) semaphore(%arg31 : memref<!tpu.dma_semaphore, #tpu.memory_space<semaphore_mem>>)
      %dma_wait3A_465 = arith.constant 0 : i32
      %dma_wait3A_466 = arith.constant 0 : i32
      %dma_wait3A_467 = tpu.memref_slice %arg5[%dma_wait3A_465, %dma_wait3A_466] : memref<100000x128xf32, #tpu.memory_space<hbm>> -> memref<100000x128xf32, #tpu.memory_space<hbm>>
      tpu.wait_indirect_dma semaphore(%arg30 : memref<!tpu.dma_semaphore, #tpu.memory_space<semaphore_mem>>) src(%dma_wait3A_467 : memref<100000x128xf32, #tpu.memory_space<hbm>>) dst(%arg25 : memref<128x128xf32, #tpu.memory_space<vmem>>)
      %dma_start3A_468 = arith.constant 0 : i32
      %dma_start3A_469 = arith.constant 0 : i32
      %dma_start3A_470 = tpu.memref_slice %arg39[%dma_start3A_468, %dma_start3A_469] : memref<200x128xf32, #tpu.memory_space<vmem_shared>> -> memref<200x128xf32, #tpu.memory_space<vmem_shared>>
      tpu.enqueue_indirect_dma source(%dma_start3A_470 : memref<200x128xf32, #tpu.memory_space<vmem_shared>>) target(%arg25 : memref<128x128xf32, #tpu.memory_space<vmem>>) offsets(%arg15 : memref<128xi32, #tpu.memory_space<vmem>>) semaphore(%arg30 : memref<!tpu.dma_semaphore, #tpu.memory_space<semaphore_mem>>) {add = true}
      %dma_start3A_471 = arith.constant 0 : i32
      %dma_start3A_472 = arith.constant 0 : i32
      %dma_start3A_473 = tpu.memref_slice %arg40[%dma_start3A_471, %dma_start3A_472] : memref<64x128xf32, #tpu.memory_space<vmem_shared>> -> memref<64x128xf32, #tpu.memory_space<vmem_shared>>
      tpu.enqueue_indirect_dma source(%dma_start3A_473 : memref<64x128xf32, #tpu.memory_space<vmem_shared>>) target(%arg25 : memref<128x128xf32, #tpu.memory_space<vmem>>) offsets(%arg20 : memref<128xi32, #tpu.memory_space<vmem>>) semaphore(%arg30 : memref<!tpu.dma_semaphore, #tpu.memory_space<semaphore_mem>>) {add = true}
      %dma_wait3A_474 = arith.constant 0 : i32
      %dma_wait3A_475 = arith.constant 0 : i32
      %dma_wait3A_476 = tpu.memref_slice %arg39[%dma_wait3A_474, %dma_wait3A_475] : memref<200x128xf32, #tpu.memory_space<vmem_shared>> -> memref<200x128xf32, #tpu.memory_space<vmem_shared>>
      tpu.wait_indirect_dma semaphore(%arg29 : memref<!tpu.dma_semaphore, #tpu.memory_space<semaphore_mem>>) src(%dma_wait3A_476 : memref<200x128xf32, #tpu.memory_space<vmem_shared>>) dst(%arg24 : memref<128x128xf32, #tpu.memory_space<vmem>>)
      %dma_wait3A_477 = arith.constant 0 : i32
      %dma_wait3A_478 = arith.constant 0 : i32
      %dma_wait3A_479 = tpu.memref_slice %arg40[%dma_wait3A_477, %dma_wait3A_478] : memref<64x128xf32, #tpu.memory_space<vmem_shared>> -> memref<64x128xf32, #tpu.memory_space<vmem_shared>>
      tpu.wait_indirect_dma semaphore(%arg29 : memref<!tpu.dma_semaphore, #tpu.memory_space<semaphore_mem>>) src(%dma_wait3A_479 : memref<64x128xf32, #tpu.memory_space<vmem_shared>>) dst(%arg24 : memref<128x128xf32, #tpu.memory_space<vmem>>)
      %mul3A_480 = arith.constant 128 : i32
      %mul3A_481 = arith.muli %add3A_432, %mul3A_480 : i32
      %add3A_482 = arith.addi %mul3A_2, %mul3A_481 : i32
      %dma_start3A_483 = arith.constant 0 : i32
      %dma_start3A_484 = tpu.memref_slice %arg8[%add3A_482, %dma_start3A_483] : memref<819200x128xf32, #tpu.memory_space<hbm>> -> memref<128x128xf32, #tpu.memory_space<hbm>>
      %dma_start3A_485 = arith.constant 0 : i32
      %dma_start3A_486 = tpu.memref_slice %arg8[%add3A_482, %dma_start3A_485] : memref<819200x128xf32, #tpu.memory_space<hbm>> -> memref<128x128xf32, #tpu.memory_space<hbm>>
      tpu.enqueue_dma source(%arg24 : memref<128x128xf32, #tpu.memory_space<vmem>>) target(%dma_start3A_486 : memref<128x128xf32, #tpu.memory_space<hbm>>) target_semaphore(%arg29 : memref<!tpu.dma_semaphore, #tpu.memory_space<semaphore_mem>>)
      %add3A_487 = arith.constant 4 : i32
      %add3A_488 = arith.addi %add3A_262, %add3A_487 : i32
      %add3A_489 = arith.constant 3 : i32
      %add3A_490 = arith.addi %add3A_488, %add3A_489 : i32
      %dma_wait3A_491 = arith.constant 0 : i32
      %dma_wait3A_492 = arith.constant 0 : i32
      %dma_wait3A_493 = tpu.memref_slice %arg8[%dma_wait3A_491, %dma_wait3A_492] : memref<819200x128xf32, #tpu.memory_space<hbm>> -> memref<128x128xf32, #tpu.memory_space<hbm>>
      %dma_wait3A_494 = arith.constant 0 : i32
      %dma_wait3A_495 = arith.constant 0 : i32
      %dma_wait3A_496 = tpu.memref_slice %arg8[%dma_wait3A_494, %dma_wait3A_495] : memref<819200x128xf32, #tpu.memory_space<hbm>> -> memref<128x128xf32, #tpu.memory_space<hbm>>
      tpu.wait_dma2 semaphore(%arg33 : memref<!tpu.dma_semaphore, #tpu.memory_space<semaphore_mem>>) src(%arg28 : memref<128x128xf32, #tpu.memory_space<vmem>>) dst(%dma_wait3A_496 : memref<128x128xf32, #tpu.memory_space<hbm>>)
      %mul3A_497 = arith.constant 128 : i32
      %mul3A_498 = arith.muli %add3A_490, %mul3A_497 : i32
      %add3A_499 = arith.addi %mul3A_2, %mul3A_498 : i32
      %dma_start3A_500 = tpu.memref_slice %arg2[%add3A_499] : memref<819200xi32, #tpu.memory_space<hbm>> -> memref<128xi32, #tpu.memory_space<hbm>>
      %dma_start3A_501 = tpu.memref_slice %arg2[%add3A_499] : memref<819200xi32, #tpu.memory_space<hbm>> -> memref<128xi32, #tpu.memory_space<hbm>>
      tpu.enqueue_dma source(%dma_start3A_501 : memref<128xi32, #tpu.memory_space<hbm>>) target(%arg13 : memref<128xi32, #tpu.memory_space<vmem>>) target_semaphore(%arg38 : memref<!tpu.dma_semaphore, #tpu.memory_space<semaphore_mem>>)
      %dma_start3A_502 = tpu.memref_slice %arg3[%add3A_499] : memref<819200xi32, #tpu.memory_space<hbm>> -> memref<128xi32, #tpu.memory_space<hbm>>
      %dma_start3A_503 = tpu.memref_slice %arg3[%add3A_499] : memref<819200xi32, #tpu.memory_space<hbm>> -> memref<128xi32, #tpu.memory_space<hbm>>
      tpu.enqueue_dma source(%dma_start3A_503 : memref<128xi32, #tpu.memory_space<hbm>>) target(%arg18 : memref<128xi32, #tpu.memory_space<vmem>>) target_semaphore(%arg38 : memref<!tpu.dma_semaphore, #tpu.memory_space<semaphore_mem>>)
      %dma_start3A_504 = tpu.memref_slice %arg4[%add3A_499] : memref<819200xi32, #tpu.memory_space<hbm>> -> memref<128xi32, #tpu.memory_space<hbm>>
      %dma_start3A_505 = tpu.memref_slice %arg4[%add3A_499] : memref<819200xi32, #tpu.memory_space<hbm>> -> memref<128xi32, #tpu.memory_space<hbm>>
      tpu.enqueue_dma source(%dma_start3A_505 : memref<128xi32, #tpu.memory_space<hbm>>) target(%arg23 : memref<128xi32, #tpu.memory_space<vmem>>) target_semaphore(%arg38 : memref<!tpu.dma_semaphore, #tpu.memory_space<semaphore_mem>>)
      %dma_wait3A_506 = arith.constant 0 : i32
      %dma_wait3A_507 = tpu.memref_slice %arg2[%dma_wait3A_506] : memref<819200xi32, #tpu.memory_space<hbm>> -> memref<128xi32, #tpu.memory_space<hbm>>
      %dma_wait3A_508 = arith.constant 0 : i32
      %dma_wait3A_509 = tpu.memref_slice %arg2[%dma_wait3A_508] : memref<819200xi32, #tpu.memory_space<hbm>> -> memref<128xi32, #tpu.memory_space<hbm>>
      tpu.wait_dma2 semaphore(%arg37 : memref<!tpu.dma_semaphore, #tpu.memory_space<semaphore_mem>>) src(%dma_wait3A_509 : memref<128xi32, #tpu.memory_space<hbm>>) dst(%arg12 : memref<128xi32, #tpu.memory_space<vmem>>)
      %dma_wait3A_510 = arith.constant 0 : i32
      %dma_wait3A_511 = tpu.memref_slice %arg3[%dma_wait3A_510] : memref<819200xi32, #tpu.memory_space<hbm>> -> memref<128xi32, #tpu.memory_space<hbm>>
      %dma_wait3A_512 = arith.constant 0 : i32
      %dma_wait3A_513 = tpu.memref_slice %arg3[%dma_wait3A_512] : memref<819200xi32, #tpu.memory_space<hbm>> -> memref<128xi32, #tpu.memory_space<hbm>>
      tpu.wait_dma2 semaphore(%arg37 : memref<!tpu.dma_semaphore, #tpu.memory_space<semaphore_mem>>) src(%dma_wait3A_513 : memref<128xi32, #tpu.memory_space<hbm>>) dst(%arg17 : memref<128xi32, #tpu.memory_space<vmem>>)
      %dma_wait3A_514 = arith.constant 0 : i32
      %dma_wait3A_515 = tpu.memref_slice %arg4[%dma_wait3A_514] : memref<819200xi32, #tpu.memory_space<hbm>> -> memref<128xi32, #tpu.memory_space<hbm>>
      %dma_wait3A_516 = arith.constant 0 : i32
      %dma_wait3A_517 = tpu.memref_slice %arg4[%dma_wait3A_516] : memref<819200xi32, #tpu.memory_space<hbm>> -> memref<128xi32, #tpu.memory_space<hbm>>
      tpu.wait_dma2 semaphore(%arg37 : memref<!tpu.dma_semaphore, #tpu.memory_space<semaphore_mem>>) src(%dma_wait3A_517 : memref<128xi32, #tpu.memory_space<hbm>>) dst(%arg22 : memref<128xi32, #tpu.memory_space<vmem>>)
      %dma_start3A_518 = arith.constant 0 : i32
      %dma_start3A_519 = arith.constant 0 : i32
      %dma_start3A_520 = tpu.memref_slice %arg5[%dma_start3A_518, %dma_start3A_519] : memref<100000x128xf32, #tpu.memory_space<hbm>> -> memref<100000x128xf32, #tpu.memory_space<hbm>>
      tpu.enqueue_indirect_dma source(%dma_start3A_520 : memref<100000x128xf32, #tpu.memory_space<hbm>>) target(%arg27 : memref<128x128xf32, #tpu.memory_space<vmem>>) offsets(%arg12 : memref<128xi32, #tpu.memory_space<vmem>>) semaphore(%arg32 : memref<!tpu.dma_semaphore, #tpu.memory_space<semaphore_mem>>)
      %dma_wait3A_521 = arith.constant 0 : i32
      %dma_wait3A_522 = arith.constant 0 : i32
      %dma_wait3A_523 = tpu.memref_slice %arg5[%dma_wait3A_521, %dma_wait3A_522] : memref<100000x128xf32, #tpu.memory_space<hbm>> -> memref<100000x128xf32, #tpu.memory_space<hbm>>
      tpu.wait_indirect_dma semaphore(%arg31 : memref<!tpu.dma_semaphore, #tpu.memory_space<semaphore_mem>>) src(%dma_wait3A_523 : memref<100000x128xf32, #tpu.memory_space<hbm>>) dst(%arg26 : memref<128x128xf32, #tpu.memory_space<vmem>>)
      %dma_start3A_524 = arith.constant 0 : i32
      %dma_start3A_525 = arith.constant 0 : i32
      %dma_start3A_526 = tpu.memref_slice %arg39[%dma_start3A_524, %dma_start3A_525] : memref<200x128xf32, #tpu.memory_space<vmem_shared>> -> memref<200x128xf32, #tpu.memory_space<vmem_shared>>
      tpu.enqueue_indirect_dma source(%dma_start3A_526 : memref<200x128xf32, #tpu.memory_space<vmem_shared>>) target(%arg26 : memref<128x128xf32, #tpu.memory_space<vmem>>) offsets(%arg16 : memref<128xi32, #tpu.memory_space<vmem>>) semaphore(%arg31 : memref<!tpu.dma_semaphore, #tpu.memory_space<semaphore_mem>>) {add = true}
      %dma_start3A_527 = arith.constant 0 : i32
      %dma_start3A_528 = arith.constant 0 : i32
      %dma_start3A_529 = tpu.memref_slice %arg40[%dma_start3A_527, %dma_start3A_528] : memref<64x128xf32, #tpu.memory_space<vmem_shared>> -> memref<64x128xf32, #tpu.memory_space<vmem_shared>>
      tpu.enqueue_indirect_dma source(%dma_start3A_529 : memref<64x128xf32, #tpu.memory_space<vmem_shared>>) target(%arg26 : memref<128x128xf32, #tpu.memory_space<vmem>>) offsets(%arg21 : memref<128xi32, #tpu.memory_space<vmem>>) semaphore(%arg31 : memref<!tpu.dma_semaphore, #tpu.memory_space<semaphore_mem>>) {add = true}
      %dma_wait3A_530 = arith.constant 0 : i32
      %dma_wait3A_531 = arith.constant 0 : i32
      %dma_wait3A_532 = tpu.memref_slice %arg39[%dma_wait3A_530, %dma_wait3A_531] : memref<200x128xf32, #tpu.memory_space<vmem_shared>> -> memref<200x128xf32, #tpu.memory_space<vmem_shared>>
      tpu.wait_indirect_dma semaphore(%arg30 : memref<!tpu.dma_semaphore, #tpu.memory_space<semaphore_mem>>) src(%dma_wait3A_532 : memref<200x128xf32, #tpu.memory_space<vmem_shared>>) dst(%arg25 : memref<128x128xf32, #tpu.memory_space<vmem>>)
      %dma_wait3A_533 = arith.constant 0 : i32
      %dma_wait3A_534 = arith.constant 0 : i32
      %dma_wait3A_535 = tpu.memref_slice %arg40[%dma_wait3A_533, %dma_wait3A_534] : memref<64x128xf32, #tpu.memory_space<vmem_shared>> -> memref<64x128xf32, #tpu.memory_space<vmem_shared>>
      tpu.wait_indirect_dma semaphore(%arg30 : memref<!tpu.dma_semaphore, #tpu.memory_space<semaphore_mem>>) src(%dma_wait3A_535 : memref<64x128xf32, #tpu.memory_space<vmem_shared>>) dst(%arg25 : memref<128x128xf32, #tpu.memory_space<vmem>>)
      %mul3A_536 = arith.constant 128 : i32
      %mul3A_537 = arith.muli %add3A_488, %mul3A_536 : i32
      %add3A_538 = arith.addi %mul3A_2, %mul3A_537 : i32
      %dma_start3A_539 = arith.constant 0 : i32
      %dma_start3A_540 = tpu.memref_slice %arg8[%add3A_538, %dma_start3A_539] : memref<819200x128xf32, #tpu.memory_space<hbm>> -> memref<128x128xf32, #tpu.memory_space<hbm>>
      %dma_start3A_541 = arith.constant 0 : i32
      %dma_start3A_542 = tpu.memref_slice %arg8[%add3A_538, %dma_start3A_541] : memref<819200x128xf32, #tpu.memory_space<hbm>> -> memref<128x128xf32, #tpu.memory_space<hbm>>
      tpu.enqueue_dma source(%arg25 : memref<128x128xf32, #tpu.memory_space<vmem>>) target(%dma_start3A_542 : memref<128x128xf32, #tpu.memory_space<hbm>>) target_semaphore(%arg30 : memref<!tpu.dma_semaphore, #tpu.memory_space<semaphore_mem>>)
    }
    %scan3A_158 = arith.constant 39 : i32
    %dma_wait3A_159 = arith.constant 0 : i32
    %dma_wait3A_160 = tpu.memref_slice %arg2[%dma_wait3A_159] : memref<819200xi32, #tpu.memory_space<hbm>> -> memref<128xi32, #tpu.memory_space<hbm>>
    %dma_wait3A_161 = arith.constant 0 : i32
    %dma_wait3A_162 = tpu.memref_slice %arg2[%dma_wait3A_161] : memref<819200xi32, #tpu.memory_space<hbm>> -> memref<128xi32, #tpu.memory_space<hbm>>
    tpu.wait_dma2 semaphore(%arg38 : memref<!tpu.dma_semaphore, #tpu.memory_space<semaphore_mem>>) src(%dma_wait3A_162 : memref<128xi32, #tpu.memory_space<hbm>>) dst(%arg13 : memref<128xi32, #tpu.memory_space<vmem>>)
    %dma_wait3A_163 = arith.constant 0 : i32
    %dma_wait3A_164 = tpu.memref_slice %arg3[%dma_wait3A_163] : memref<819200xi32, #tpu.memory_space<hbm>> -> memref<128xi32, #tpu.memory_space<hbm>>
    %dma_wait3A_165 = arith.constant 0 : i32
    %dma_wait3A_166 = tpu.memref_slice %arg3[%dma_wait3A_165] : memref<819200xi32, #tpu.memory_space<hbm>> -> memref<128xi32, #tpu.memory_space<hbm>>
    tpu.wait_dma2 semaphore(%arg38 : memref<!tpu.dma_semaphore, #tpu.memory_space<semaphore_mem>>) src(%dma_wait3A_166 : memref<128xi32, #tpu.memory_space<hbm>>) dst(%arg18 : memref<128xi32, #tpu.memory_space<vmem>>)
    %dma_wait3A_167 = arith.constant 0 : i32
    %dma_wait3A_168 = tpu.memref_slice %arg4[%dma_wait3A_167] : memref<819200xi32, #tpu.memory_space<hbm>> -> memref<128xi32, #tpu.memory_space<hbm>>
    %dma_wait3A_169 = arith.constant 0 : i32
    %dma_wait3A_170 = tpu.memref_slice %arg4[%dma_wait3A_169] : memref<819200xi32, #tpu.memory_space<hbm>> -> memref<128xi32, #tpu.memory_space<hbm>>
    tpu.wait_dma2 semaphore(%arg38 : memref<!tpu.dma_semaphore, #tpu.memory_space<semaphore_mem>>) src(%dma_wait3A_170 : memref<128xi32, #tpu.memory_space<hbm>>) dst(%arg23 : memref<128xi32, #tpu.memory_space<vmem>>)
    %dma_start3A_171 = arith.constant 0 : i32
    %dma_start3A_172 = arith.constant 0 : i32
    %dma_start3A_173 = tpu.memref_slice %arg5[%dma_start3A_171, %dma_start3A_172] : memref<100000x128xf32, #tpu.memory_space<hbm>> -> memref<100000x128xf32, #tpu.memory_space<hbm>>
    tpu.enqueue_indirect_dma source(%dma_start3A_173 : memref<100000x128xf32, #tpu.memory_space<hbm>>) target(%arg28 : memref<128x128xf32, #tpu.memory_space<vmem>>) offsets(%arg13 : memref<128xi32, #tpu.memory_space<vmem>>) semaphore(%arg33 : memref<!tpu.dma_semaphore, #tpu.memory_space<semaphore_mem>>)
    %dma_wait3A_174 = arith.constant 0 : i32
    %dma_wait3A_175 = arith.constant 0 : i32
    %dma_wait3A_176 = tpu.memref_slice %arg5[%dma_wait3A_174, %dma_wait3A_175] : memref<100000x128xf32, #tpu.memory_space<hbm>> -> memref<100000x128xf32, #tpu.memory_space<hbm>>
    tpu.wait_indirect_dma semaphore(%arg32 : memref<!tpu.dma_semaphore, #tpu.memory_space<semaphore_mem>>) src(%dma_wait3A_176 : memref<100000x128xf32, #tpu.memory_space<hbm>>) dst(%arg27 : memref<128x128xf32, #tpu.memory_space<vmem>>)
    %dma_start3A_177 = arith.constant 0 : i32
    %dma_start3A_178 = arith.constant 0 : i32
    %dma_start3A_179 = tpu.memref_slice %arg39[%dma_start3A_177, %dma_start3A_178] : memref<200x128xf32, #tpu.memory_space<vmem_shared>> -> memref<200x128xf32, #tpu.memory_space<vmem_shared>>
    tpu.enqueue_indirect_dma source(%dma_start3A_179 : memref<200x128xf32, #tpu.memory_space<vmem_shared>>) target(%arg27 : memref<128x128xf32, #tpu.memory_space<vmem>>) offsets(%arg17 : memref<128xi32, #tpu.memory_space<vmem>>) semaphore(%arg32 : memref<!tpu.dma_semaphore, #tpu.memory_space<semaphore_mem>>) {add = true}
    %dma_start3A_180 = arith.constant 0 : i32
    %dma_start3A_181 = arith.constant 0 : i32
    %dma_start3A_182 = tpu.memref_slice %arg40[%dma_start3A_180, %dma_start3A_181] : memref<64x128xf32, #tpu.memory_space<vmem_shared>> -> memref<64x128xf32, #tpu.memory_space<vmem_shared>>
    tpu.enqueue_indirect_dma source(%dma_start3A_182 : memref<64x128xf32, #tpu.memory_space<vmem_shared>>) target(%arg27 : memref<128x128xf32, #tpu.memory_space<vmem>>) offsets(%arg22 : memref<128xi32, #tpu.memory_space<vmem>>) semaphore(%arg32 : memref<!tpu.dma_semaphore, #tpu.memory_space<semaphore_mem>>) {add = true}
    %dma_wait3A_183 = arith.constant 0 : i32
    %dma_wait3A_184 = arith.constant 0 : i32
    %dma_wait3A_185 = tpu.memref_slice %arg39[%dma_wait3A_183, %dma_wait3A_184] : memref<200x128xf32, #tpu.memory_space<vmem_shared>> -> memref<200x128xf32, #tpu.memory_space<vmem_shared>>
    tpu.wait_indirect_dma semaphore(%arg31 : memref<!tpu.dma_semaphore, #tpu.memory_space<semaphore_mem>>) src(%dma_wait3A_185 : memref<200x128xf32, #tpu.memory_space<vmem_shared>>) dst(%arg26 : memref<128x128xf32, #tpu.memory_space<vmem>>)
    %dma_wait3A_186 = arith.constant 0 : i32
    %dma_wait3A_187 = arith.constant 0 : i32
    %dma_wait3A_188 = tpu.memref_slice %arg40[%dma_wait3A_186, %dma_wait3A_187] : memref<64x128xf32, #tpu.memory_space<vmem_shared>> -> memref<64x128xf32, #tpu.memory_space<vmem_shared>>
    tpu.wait_indirect_dma semaphore(%arg31 : memref<!tpu.dma_semaphore, #tpu.memory_space<semaphore_mem>>) src(%dma_wait3A_188 : memref<64x128xf32, #tpu.memory_space<vmem_shared>>) dst(%arg26 : memref<128x128xf32, #tpu.memory_space<vmem>>)
    %add3A_189 = arith.constant 25216 : i32
    %add3A_190 = arith.addi %mul3A_2, %add3A_189 : i32
    %dma_start3A_191 = arith.constant 0 : i32
    %dma_start3A_192 = tpu.memref_slice %arg8[%add3A_190, %dma_start3A_191] : memref<819200x128xf32, #tpu.memory_space<hbm>> -> memref<128x128xf32, #tpu.memory_space<hbm>>
    %dma_start3A_193 = arith.constant 0 : i32
    %dma_start3A_194 = tpu.memref_slice %arg8[%add3A_190, %dma_start3A_193] : memref<819200x128xf32, #tpu.memory_space<hbm>> -> memref<128x128xf32, #tpu.memory_space<hbm>>
    tpu.enqueue_dma source(%arg26 : memref<128x128xf32, #tpu.memory_space<vmem>>) target(%dma_start3A_194 : memref<128x128xf32, #tpu.memory_space<hbm>>) target_semaphore(%arg31 : memref<!tpu.dma_semaphore, #tpu.memory_space<semaphore_mem>>)
    %dma_wait3A_195 = arith.constant 0 : i32
    %dma_wait3A_196 = arith.constant 0 : i32
    %dma_wait3A_197 = tpu.memref_slice %arg5[%dma_wait3A_195, %dma_wait3A_196] : memref<100000x128xf32, #tpu.memory_space<hbm>> -> memref<100000x128xf32, #tpu.memory_space<hbm>>
    tpu.wait_indirect_dma semaphore(%arg33 : memref<!tpu.dma_semaphore, #tpu.memory_space<semaphore_mem>>) src(%dma_wait3A_197 : memref<100000x128xf32, #tpu.memory_space<hbm>>) dst(%arg28 : memref<128x128xf32, #tpu.memory_space<vmem>>)
    %dma_start3A_198 = arith.constant 0 : i32
    %dma_start3A_199 = arith.constant 0 : i32
    %dma_start3A_200 = tpu.memref_slice %arg39[%dma_start3A_198, %dma_start3A_199] : memref<200x128xf32, #tpu.memory_space<vmem_shared>> -> memref<200x128xf32, #tpu.memory_space<vmem_shared>>
    tpu.enqueue_indirect_dma source(%dma_start3A_200 : memref<200x128xf32, #tpu.memory_space<vmem_shared>>) target(%arg28 : memref<128x128xf32, #tpu.memory_space<vmem>>) offsets(%arg18 : memref<128xi32, #tpu.memory_space<vmem>>) semaphore(%arg33 : memref<!tpu.dma_semaphore, #tpu.memory_space<semaphore_mem>>) {add = true}
    %dma_start3A_201 = arith.constant 0 : i32
    %dma_start3A_202 = arith.constant 0 : i32
    %dma_start3A_203 = tpu.memref_slice %arg40[%dma_start3A_201, %dma_start3A_202] : memref<64x128xf32, #tpu.memory_space<vmem_shared>> -> memref<64x128xf32, #tpu.memory_space<vmem_shared>>
    tpu.enqueue_indirect_dma source(%dma_start3A_203 : memref<64x128xf32, #tpu.memory_space<vmem_shared>>) target(%arg28 : memref<128x128xf32, #tpu.memory_space<vmem>>) offsets(%arg23 : memref<128xi32, #tpu.memory_space<vmem>>) semaphore(%arg33 : memref<!tpu.dma_semaphore, #tpu.memory_space<semaphore_mem>>) {add = true}
    %dma_wait3A_204 = arith.constant 0 : i32
    %dma_wait3A_205 = arith.constant 0 : i32
    %dma_wait3A_206 = tpu.memref_slice %arg39[%dma_wait3A_204, %dma_wait3A_205] : memref<200x128xf32, #tpu.memory_space<vmem_shared>> -> memref<200x128xf32, #tpu.memory_space<vmem_shared>>
    tpu.wait_indirect_dma semaphore(%arg32 : memref<!tpu.dma_semaphore, #tpu.memory_space<semaphore_mem>>) src(%dma_wait3A_206 : memref<200x128xf32, #tpu.memory_space<vmem_shared>>) dst(%arg27 : memref<128x128xf32, #tpu.memory_space<vmem>>)
    %dma_wait3A_207 = arith.constant 0 : i32
    %dma_wait3A_208 = arith.constant 0 : i32
    %dma_wait3A_209 = tpu.memref_slice %arg40[%dma_wait3A_207, %dma_wait3A_208] : memref<64x128xf32, #tpu.memory_space<vmem_shared>> -> memref<64x128xf32, #tpu.memory_space<vmem_shared>>
    tpu.wait_indirect_dma semaphore(%arg32 : memref<!tpu.dma_semaphore, #tpu.memory_space<semaphore_mem>>) src(%dma_wait3A_209 : memref<64x128xf32, #tpu.memory_space<vmem_shared>>) dst(%arg27 : memref<128x128xf32, #tpu.memory_space<vmem>>)
    %add3A_210 = arith.constant 25344 : i32
    %add3A_211 = arith.addi %mul3A_2, %add3A_210 : i32
    %dma_start3A_212 = arith.constant 0 : i32
    %dma_start3A_213 = tpu.memref_slice %arg8[%add3A_211, %dma_start3A_212] : memref<819200x128xf32, #tpu.memory_space<hbm>> -> memref<128x128xf32, #tpu.memory_space<hbm>>
    %dma_start3A_214 = arith.constant 0 : i32
    %dma_start3A_215 = tpu.memref_slice %arg8[%add3A_211, %dma_start3A_214] : memref<819200x128xf32, #tpu.memory_space<hbm>> -> memref<128x128xf32, #tpu.memory_space<hbm>>
    tpu.enqueue_dma source(%arg27 : memref<128x128xf32, #tpu.memory_space<vmem>>) target(%dma_start3A_215 : memref<128x128xf32, #tpu.memory_space<hbm>>) target_semaphore(%arg32 : memref<!tpu.dma_semaphore, #tpu.memory_space<semaphore_mem>>)
    %dma_wait3A_216 = arith.constant 0 : i32
    %dma_wait3A_217 = arith.constant 0 : i32
    %dma_wait3A_218 = tpu.memref_slice %arg39[%dma_wait3A_216, %dma_wait3A_217] : memref<200x128xf32, #tpu.memory_space<vmem_shared>> -> memref<200x128xf32, #tpu.memory_space<vmem_shared>>
    tpu.wait_indirect_dma semaphore(%arg33 : memref<!tpu.dma_semaphore, #tpu.memory_space<semaphore_mem>>) src(%dma_wait3A_218 : memref<200x128xf32, #tpu.memory_space<vmem_shared>>) dst(%arg28 : memref<128x128xf32, #tpu.memory_space<vmem>>)
    %dma_wait3A_219 = arith.constant 0 : i32
    %dma_wait3A_220 = arith.constant 0 : i32
    %dma_wait3A_221 = tpu.memref_slice %arg40[%dma_wait3A_219, %dma_wait3A_220] : memref<64x128xf32, #tpu.memory_space<vmem_shared>> -> memref<64x128xf32, #tpu.memory_space<vmem_shared>>
    tpu.wait_indirect_dma semaphore(%arg33 : memref<!tpu.dma_semaphore, #tpu.memory_space<semaphore_mem>>) src(%dma_wait3A_221 : memref<64x128xf32, #tpu.memory_space<vmem_shared>>) dst(%arg28 : memref<128x128xf32, #tpu.memory_space<vmem>>)
    %add3A_222 = arith.constant 25472 : i32
    %add3A_223 = arith.addi %mul3A_2, %add3A_222 : i32
    %dma_start3A_224 = arith.constant 0 : i32
    %dma_start3A_225 = tpu.memref_slice %arg8[%add3A_223, %dma_start3A_224] : memref<819200x128xf32, #tpu.memory_space<hbm>> -> memref<128x128xf32, #tpu.memory_space<hbm>>
    %dma_start3A_226 = arith.constant 0 : i32
    %dma_start3A_227 = tpu.memref_slice %arg8[%add3A_223, %dma_start3A_226] : memref<819200x128xf32, #tpu.memory_space<hbm>> -> memref<128x128xf32, #tpu.memory_space<hbm>>
    tpu.enqueue_dma source(%arg28 : memref<128x128xf32, #tpu.memory_space<vmem>>) target(%dma_start3A_227 : memref<128x128xf32, #tpu.memory_space<hbm>>) target_semaphore(%arg33 : memref<!tpu.dma_semaphore, #tpu.memory_space<semaphore_mem>>)
    %dma_wait3A_228 = arith.constant 0 : i32
    %dma_wait3A_229 = arith.constant 0 : i32
    %dma_wait3A_230 = tpu.memref_slice %arg8[%dma_wait3A_228, %dma_wait3A_229] : memref<819200x128xf32, #tpu.memory_space<hbm>> -> memref<128x128xf32, #tpu.memory_space<hbm>>
    %dma_wait3A_231 = arith.constant 0 : i32
    %dma_wait3A_232 = arith.constant 0 : i32
    %dma_wait3A_233 = tpu.memref_slice %arg8[%dma_wait3A_231, %dma_wait3A_232] : memref<819200x128xf32, #tpu.memory_space<hbm>> -> memref<128x128xf32, #tpu.memory_space<hbm>>
    tpu.wait_dma2 semaphore(%arg29 : memref<!tpu.dma_semaphore, #tpu.memory_space<semaphore_mem>>) src(%arg24 : memref<128x128xf32, #tpu.memory_space<vmem>>) dst(%dma_wait3A_233 : memref<128x128xf32, #tpu.memory_space<hbm>>)
    %dma_wait3A_234 = arith.constant 0 : i32
    %dma_wait3A_235 = arith.constant 0 : i32
    %dma_wait3A_236 = tpu.memref_slice %arg8[%dma_wait3A_234, %dma_wait3A_235] : memref<819200x128xf32, #tpu.memory_space<hbm>> -> memref<128x128xf32, #tpu.memory_space<hbm>>
    %dma_wait3A_237 = arith.constant 0 : i32
    %dma_wait3A_238 = arith.constant 0 : i32
    %dma_wait3A_239 = tpu.memref_slice %arg8[%dma_wait3A_237, %dma_wait3A_238] : memref<819200x128xf32, #tpu.memory_space<hbm>> -> memref<128x128xf32, #tpu.memory_space<hbm>>
    tpu.wait_dma2 semaphore(%arg30 : memref<!tpu.dma_semaphore, #tpu.memory_space<semaphore_mem>>) src(%arg25 : memref<128x128xf32, #tpu.memory_space<vmem>>) dst(%dma_wait3A_239 : memref<128x128xf32, #tpu.memory_space<hbm>>)
    %dma_wait3A_240 = arith.constant 0 : i32
    %dma_wait3A_241 = arith.constant 0 : i32
    %dma_wait3A_242 = tpu.memref_slice %arg8[%dma_wait3A_240, %dma_wait3A_241] : memref<819200x128xf32, #tpu.memory_space<hbm>> -> memref<128x128xf32, #tpu.memory_space<hbm>>
    %dma_wait3A_243 = arith.constant 0 : i32
    %dma_wait3A_244 = arith.constant 0 : i32
    %dma_wait3A_245 = tpu.memref_slice %arg8[%dma_wait3A_243, %dma_wait3A_244] : memref<819200x128xf32, #tpu.memory_space<hbm>> -> memref<128x128xf32, #tpu.memory_space<hbm>>
    tpu.wait_dma2 semaphore(%arg31 : memref<!tpu.dma_semaphore, #tpu.memory_space<semaphore_mem>>) src(%arg26 : memref<128x128xf32, #tpu.memory_space<vmem>>) dst(%dma_wait3A_245 : memref<128x128xf32, #tpu.memory_space<hbm>>)
    %dma_wait3A_246 = arith.constant 0 : i32
    %dma_wait3A_247 = arith.constant 0 : i32
    %dma_wait3A_248 = tpu.memref_slice %arg8[%dma_wait3A_246, %dma_wait3A_247] : memref<819200x128xf32, #tpu.memory_space<hbm>> -> memref<128x128xf32, #tpu.memory_space<hbm>>
    %dma_wait3A_249 = arith.constant 0 : i32
    %dma_wait3A_250 = arith.constant 0 : i32
    %dma_wait3A_251 = tpu.memref_slice %arg8[%dma_wait3A_249, %dma_wait3A_250] : memref<819200x128xf32, #tpu.memory_space<hbm>> -> memref<128x128xf32, #tpu.memory_space<hbm>>
    tpu.wait_dma2 semaphore(%arg32 : memref<!tpu.dma_semaphore, #tpu.memory_space<semaphore_mem>>) src(%arg27 : memref<128x128xf32, #tpu.memory_space<vmem>>) dst(%dma_wait3A_251 : memref<128x128xf32, #tpu.memory_space<hbm>>)
    %dma_wait3A_252 = arith.constant 0 : i32
    %dma_wait3A_253 = arith.constant 0 : i32
    %dma_wait3A_254 = tpu.memref_slice %arg8[%dma_wait3A_252, %dma_wait3A_253] : memref<819200x128xf32, #tpu.memory_space<hbm>> -> memref<128x128xf32, #tpu.memory_space<hbm>>
    %dma_wait3A_255 = arith.constant 0 : i32
    %dma_wait3A_256 = arith.constant 0 : i32
    %dma_wait3A_257 = tpu.memref_slice %arg8[%dma_wait3A_255, %dma_wait3A_256] : memref<819200x128xf32, #tpu.memory_space<hbm>> -> memref<128x128xf32, #tpu.memory_space<hbm>>
    tpu.wait_dma2 semaphore(%arg33 : memref<!tpu.dma_semaphore, #tpu.memory_space<semaphore_mem>>) src(%arg28 : memref<128x128xf32, #tpu.memory_space<vmem>>) dst(%dma_wait3A_257 : memref<128x128xf32, #tpu.memory_space<hbm>>)
    return
  }
}

</mosaic_0001>

<sc_bundles>
// kernel: kernel.3.cloned.1.call-start
scs
__scs_entry_jumppad:
0x0: {  	(pc) =	sbr.rel $0x88, $3  }
0x1: {  	(tag) =	ssettag $0x0;
	lr =	simm.s32 $0x1  }
0x2: {  	[smem:$0x3F9B] =	sst lr;
	_ =	strace $0xD0000000  }
0x3: {  	_ = 	snop  }
0x4: {  	_ = 	snop  }
0x5: {  	_ = 	snop  }
0x6: {  	_ = 	snop  }
0x7: {  	_ = 	snop  }
__scs_overlays_trampoline_lowered:
0x8: {  	[smem:$0x3FAA] =	sst s0  }
0x9: {  	[smem:$0x3FAB] =	sst s1  }
0xa: {  	[smem:$0x3FAC] =	sst s2  }
0xb: {  	[smem:$0x3FAD] =	sst s3  }
0xc: {  	[smem:$0x3FAE] =	sst s4  }
0xd: {  	[smem:$0x3FAF] =	sst s5  }
0xe: {  	[smem:$0x3FB0] =	sst s6  }
0xf: {  	[smem:$0x3FB1] =	sst s7  }
0x10: {  	[smem:$0x3FB2] =	sst s8  }
0x11: {  	[smem:$0x3FB3] =	sst s9;
	s0 =	simm.s32 @!p0 $0x0  }
0x12: {  	s1 =	sld [smem:$0x3F99];
	s0 =	simm.s32 @p0 $0x1  }
0x13: {  	[smem:$0x3FB4] =	sst s0;
	s0 =	simm.s32 @!p1 $0x0  }
0x14: {  	s2 =	sld [smem:$0x3F98];
	s0 =	simm.s32 @p1 $0x1  }
0x15: {  	[smem:$0x3FB5] =	sst s0;
	s0 =	simm.s32 @!p2 $0x0  }
0x16: {  	s3 =	sld [smem:$0x3FDB];
	s0 =	simm.s32 @p2 $0x1  }
0x17: {  	s4 =	simm.s32 $0x1BF5;
	[smem:$0x3FB7] =	sst s0  }
0x18: {  	s0 =	sld [smem:$0x3F9A];
	_ =	swait.ge [sflag:s4], $0x0  }
0x19: {  	s7 =	sld [smem:$0x3F9B]  }
0x1a: {  	s8 =	sadd.s32 $0xFFFFE003, lr  }
0x1b: {  	s9 =	sadd.s32 $0xFFFFFEF7, lr;
	s5 =	simm.s32 $0xFFFFFFFF;
	p2 =	slt.u32 s8, $0xFFFFF086  }
0x1c: {  	p1 =	slt.u32 s9, $0xF7A;
	s5 =	simm.s32 @!p2 $0x0  }
0x1d: {  	s5 =	simm.s32 @p1 $0x1;
	p0 =	seq.s32 s7, s2  }
0x1e: {  	s7 =	smul.u32 @!p0 $0xF7A, s2;
	p2 =	seq.s32 @!p0 s5, $0x0  }
0x1f: {  	s9 =	smul.u32 $0xF7A, s1;
	s8 =	simm.s32 @!p0 $0x1BF5;
	p2 =	por !p2, p0  }
0x20: {  	[sflag:s8] =	ssyncset.s32 @!p0 $0xFFFFF086;
	s6 =	sadd.s32 @!p0 s3, s7;
	s7 =	simm.s32 @!p0 $0x108  }
0x21: {  	s3 =	sadd.s32 s3, s9;
	s6 =	sadd.s32 @!p0 $0x88, s6;
	s7 =	simm.s32 @p2 $0x1082  }
0x22: {  	[simem:s7], [sflag:s8] =	dma.local @!p0 [hbm:s6], $0xF7A  }
0x23: {  	s9 =	sor.u32 $0xD0000000, s2;
	s6 =	simm.s32 $0x108;
	_ =	swait.ge @!p0 [sflag:s8], $0x0  }
0x24: {  	s3 =	sadd.s32 $0x88, s3;
	s6 =	simm.s32 @!p1 $0x1082;
	[sflag:s4] =	ssyncset.s32 $0xFFFFF086  }
0x25: {  	[simem:s6], [sflag:s4] =	dma.local [hbm:s3], $0xF7A  }
0x26: {  	[smem:$0x3F9B] =	sst s1;
	(tag) =	ssettag s2;
	_ =	strace s9  }
0x27: {  	s1 =	sld [smem:$0x3FAB]  }
0x28: {  	s2 =	sld [smem:$0x3FAC]  }
0x29: {  	s4 =	sld [smem:$0x3FAE]  }
0x2a: {  	p0 =	seq.s32 s5, $0x0;
	s5 =	sld [smem:$0x3FAF]  }
0x2b: {  	s6 =	sld [smem:$0x3FB0]  }
0x2c: {  	s7 =	sld [smem:$0x3FB1]  }
0x2d: {  	s3 =	simm.s32 $0x108;
	s8 =	sld [smem:$0x3FB2]  }
0x2e: {  	s3 =	simm.s32 @!p0 $0x1082;
	s9 =	sld [smem:$0x3FB3]  }
0x2f: {  	lr =	sadd.s32 s0, s3;
	s0 =	sld [smem:$0x3FAA]  }
0x30: {  	s3 =	sld [smem:$0x3FAD]  }
0x31: {  	[smem:$0x3FB6] =	sst s10  }
0x32: {  	s10 =	sld [smem:$0x3FB4];
	_ =	sdelay $0x3  }
0x33: {  	p0 =	seq.s32 s10, $0x1;
	s10 =	sld [smem:$0x3FB6];
	_ =	sdelay $0x3  }
0x34: {  	[smem:$0x3FB6] =	sst s10  }
0x35: {  	s10 =	sld [smem:$0x3FB5];
	_ =	sdelay $0x3  }
0x36: {  	p1 =	seq.s32 s10, $0x1;
	s10 =	sld [smem:$0x3FB6];
	_ =	sdelay $0x3  }
0x37: {  	[smem:$0x3FB6] =	sst s10  }
0x38: {  	s10 =	sld [smem:$0x3FB7]  }
0x39: {  	_ = 	snop;
	(pc) =	sbr.ind lr, $3  }
0x3a: {  	_ = 	snop  }
0x3b: {  	_ = 	snop  }
0x3c: {  	p2 =	seq.s32 s10, $0x1;
	s10 =	sld [smem:$0x3FB6]  }
0x3d: {  	_ =	shalt  }
0x3e: {  	_ =	shalt  }
0x3f: {  	_ =	shalt  }
0x40: {  	_ =	shalt  }
0x41: {  	_ =	shalt  }
0x42: {  	_ =	shalt  }
0x43: {  	_ =	shalt  }
0x44: {  	_ =	shalt  }
0x45: {  	_ =	shalt  }
0x46: {  	_ =	shalt  }
0x47: {  	_ =	shalt  }
0x48: {  	_ =	shalt  }
0x49: {  	_ =	shalt  }
0x4a: {  	_ =	shalt  }
0x4b: {  	_ =	shalt  }
0x4c: {  	_ =	shalt  }
0x4d: {  	_ =	shalt  }
0x4e: {  	_ =	shalt  }
0x4f: {  	_ =	shalt  }
0x50: {  	_ =	shalt  }
0x51: {  	_ =	shalt  }
0x52: {  	_ =	shalt  }
0x53: {  	_ =	shalt  }
0x54: {  	_ =	shalt  }
0x55: {  	_ =	shalt  }
0x56: {  	_ =	shalt  }
0x57: {  	_ =	shalt  }
0x58: {  	_ =	shalt  }
0x59: {  	_ =	shalt  }
0x5a: {  	_ =	shalt  }
0x5b: {  	_ =	shalt  }
0x5c: {  	_ =	shalt  }
0x5d: {  	_ =	shalt  }
0x5e: {  	_ =	shalt  }
0x5f: {  	_ =	shalt  }
0x60: {  	_ =	shalt  }
0x61: {  	_ =	shalt  }
0x62: {  	_ =	shalt  }
0x63: {  	_ =	shalt  }
0x64: {  	_ =	shalt  }
0x65: {  	_ =	shalt  }
0x66: {  	_ =	shalt  }
0x67: {  	_ =	shalt  }
0x68: {  	_ =	shalt  }
0x69: {  	_ =	shalt  }
0x6a: {  	_ =	shalt  }
0x6b: {  	_ =	shalt  }
0x6c: {  	_ =	shalt  }
0x6d: {  	_ =	shalt  }
0x6e: {  	_ =	shalt  }
0x6f: {  	_ =	shalt  }
0x70: {  	_ =	shalt  }
0x71: {  	_ =	shalt  }
0x72: {  	_ =	shalt  }
0x73: {  	_ =	shalt  }
0x74: {  	_ =	shalt  }
0x75: {  	_ =	shalt  }
0x76: {  	_ =	shalt  }
0x77: {  	_ =	shalt  }
0x78: {  	_ =	shalt  }
0x79: {  	_ =	shalt  }
0x7a: {  	_ =	shalt  }
0x7b: {  	_ =	shalt  }
0x7c: {  	_ =	shalt  }
0x7d: {  	_ =	shalt  }
0x7e: {  	_ =	shalt  }
0x7f: {  	_ =	shalt  }
0x80: {  	_ =	shalt  }
0x81: {  	_ =	shalt  }
0x82: {  	_ =	shalt  }
0x83: {  	_ =	shalt  }
0x84: {  	_ =	shalt  }
0x85: {  	_ =	shalt  }
0x86: {  	_ =	shalt  }
0x87: {  	_ =	shalt  }
.Lfunc_end0:
.L_simem_size_0:
called_computation_lowered:
.L_overlay_start_0:
0x88: {  	s2 =	sld [smem:$0x3FD9]  }
0x89: {  	s3 =	sld [smem:$0x3FFE];
	_ =	sdelay $0x1  }
0x8a: {  	s1 =	srdreg.scid  }
0x8b: {  	s0 =	sand.u32 $0x1, s1  }
0x8c: {  	s17 =	sshll.u32 s0, $0xA;
	s2 =	sadd.s32 s3, s2  }
0x8d: {  	s2 =	sadd.s32 s2, s17  }
0x8e: {  	[smem:$0x3FC2] =	sst s2  }
0x8f: {  	_ = 	snop  }
0x90: {  	s2 =	sld [smem:$0x3FC6]  }
0x91: {  	s18 =	sld [smem:$0x3FC5]  }
0x92: {  	s4 =	sld [smem:$0x3FC4]  }
0x93: {  	s5 =	sld [smem:$0x3FD0];
	(tm) =	ssettm $0x1  }
0x94: {  	s6 =	sld [smem:$0x3FFB];
	_ =	sdelay $0x3  }
0x95: {  	_ =	strace s6  }
0x96: {  	s6 =	sld [smem:$0x3FFC];
	_ =	sdelay $0x3  }
0x97: {  	_ =	strace s6  }
0x98: {  	s6 =	sld [smem:$0x3FFD];
	_ =	sdelay $0x3  }
0x99: {  	_ =	strace s6  }
0x9a: {  	_ =	strace $0x8FFFFFFF  }
0x9b: {  	s19 =	sld [smem:$0x3FDB];
	_ =	sdelay $0x1  }
0x9c: {  	s7 =	simm.s32 $_scs_section_size  }
0x9d: {  	s8 =	simm.s32 $_size__tile_overlayer_lowered;
	s9 =	simm.s32 $_tile_overlayer_lowered  }
0x9e: {  	s22 =	simm.s32 $0x1BFF;
	s21 =	sshll.u32 s9, $0x1;
	s6 =	sadd.s32 s7, s19  }
0x9f: {  	s10 =	simm.s32 $0x0;
	s20 =	sshll.u32 s8, $0x1;
	s8 =	sadd.s32 s21, s6  }
0xa0: {  	[timem:s10], [sflag:s22] =	dma.local [hbm:s8], s20  }
0xa1: {  	_ =	swait.ge [sflag:s22], s20  }
0xa2: {  	s7 =	ssub.s32 $0x0, s20;
	[sflag:s22] =	ssyncset.done $0x0  }
0xa3: {  	[sflag:s22] =	ssyncadd.s32 s7;
	_ =	sdelay $0x1  }
0xa4: {  	s23 =	simm.s32 $0x1B8B  }
0xa5: {  	_ =	swait.ge [sflag:s23], $0x1  }
0xa6: {  	[sflag:s23] =	ssyncset.done $0x0  }
0xa7: {  	s25 =	simm.s32 $0x1B8E;
	s24 =	sld [smem:$0x3FFE];
	[sflag:s23] =	ssyncadd.s32 $0xFFFFFFFF  }
0xa8: {  	s26 =	simm.s32 $execute0_lowered;
	[smem:$0x3FD2] =	sst s25  }
0xa9: {  	s8 =	sshll.u32 s26, $0x1;
	_ =	strace $0x80000046;
	[dreg:$0x1] =	wrdreg $0xFFFFFFFF  }
0xaa: {  	s28 =	simm.s32 $_size_execute0_lowered;
	s6 =	sadd.s32 s6, s8;
	[dreg:$0x0] =	wrdreg $0x0  }
0xab: {  	s8 =	sshll.u32 s28, $0x1;
	[dreg:$0x2] =	wrdreg s6  }
0xac: {  	[dreg:$0x3] =	wrdreg s8  }
0xad: {  	[dreg:$0x4] =	wrdreg $0xC0  }
0xae: {  	_ =	task [dreg:s10], $0x5FFFF  }
0xaf: {  	[dreg:$0x1] =	wrdreg $0xFFFFFFFF  }
0xb0: {  	[dreg:$0x0] =	wrdreg $0x60  }
0xb1: {  	[dreg:$0x2] =	wrdreg s24  }
0xb2: {  	[dreg:$0x3] =	wrdreg s2  }
0xb3: {  	[dreg:$0x4] =	wrdreg s18  }
0xb4: {  	[dreg:$0x5] =	wrdreg s4  }
0xb5: {  	[dreg:$0x6] =	wrdreg s5  }
0xb6: {  	[dreg:$0x7] =	wrdreg $0x147800  }
0xb7: {  	[dreg:$0x8] =	wrdreg $0x14DC00  }
0xb8: {  	[dreg:$0x9] =	wrdreg $0x9  }
0xb9: {  	_ =	task.clear_ibuf [dreg:s10], $0xAFFFF;
	_ =	strace $0x90000046  }
0xba: {  	s29 =	simm.s32 $0x9;
	_ =	strace $0x80000048  }
0xbb: {  	_ =	swait.ge [sflag:s29], $0x1  }
0xbc: {  	[sflag:s29] =	ssyncadd.s32 $0xFFFFFFFF  }
0xbd: {  	_ =	strace $0x90000048  }
0xbe: {  	_ =	sfence  }
0xbf: {  	s30 =	sld [smem:$0x0];
	_ =	sdelay $0x2  }
0xc0: {  	s31 =	sshll.u32 s1, $0xD;
	s1 =	sshrl.u32 s1, $0x2  }
0xc1: {  	s3 =	sand.u32 $0x4000, s31;
	s1 =	sadd.s32 s1, s30  }
0xc2: {  	s0 =	sor.u32 s3, s0;
	s1 =	sshll.u32 s1, $0x11  }
0xc3: {  	s0 =	sor.u32 s1, s0  }
0xc4: {  	s0 =	sadd.s32 $0x8F2B, s0  }
0xc5: {  	[sflag:s0] =	ssyncadd.remote.s32 $0x1  }
0xc6: {  	_ =	sfence.sel $0xFFFF  }
0xc7: {  	[dreg:$0x0] =	wrdreg $0xFFFFFFFF;
	(pc) =	sbr.abs _section_cstart, $3  }
0xc8: {  	[dreg:$0x1] =	wrdreg $0xFFFFFFFF  }
0xc9: {  	_ =	task.clear_ibuf [dreg:s10], $0x2FFFF;
	_ =	strace $0x9FFFFFFF  }
0xca: {  	(tm) =	ssettm $0x7FFFFFFF  }
0xcb: {  	_ =	shalt  }
tec
execute0_lowered:
.L_overlay_start_1:
0x0: {  	(tag) =	ssettag $0x1  }
0x1: {  	s3 =	srdreg.scid;
	s1 =	stileid.u32  }
0x2: {  	s7 =	rddreg [dreg:$0x0];
	s3 =	sand.u32 $0x1, s3;
	s6 =	sshll.u32 s1, $0x1  }
0x3: {  	s2 =	rddreg [dreg:$0x4];
	s14 =	smul.u32 $0xC800, s1;
	s8 =	sor.u32 s3, s6  }
0x4: {  	s9 =	sadd.s32 $0x800, s7;
	s11 =	sadd.s32 $0x19800, s7;
	s13 =	smul.u32 $0x6400, s8  }
0x5: {  	s12 =	sadd.s32 $0x32800, s7;
	s6 =	simm.s32 $0x0;
	s15 =	smul.u32 $0x6400, s3  }
0x6: {  	s0 =	ssub.s32 $0x2, s3;
	[smem:$0x7FF] =	sst s6;
	s10 =	sor.u32 $0x80, s13  }
0x7: {  	s16 =	sshrl.u32 s0, $0x1;
	_ =	strace $0x80000047;
	s4 =	sshrl.u32 s10, $0x3  }
0x8: {  	s14 =	sadd.s32 s15, s14;
	s7 =	ssub.s32 s0, s16;
	s17 =	sadd.s32 s9, s4  }
0x9: {  	s5 =	sadd.s32 $0x480, s14;
	s18 =	sadd.s32 s11, s4;
	[dreg:$0x17] =	wrdreg s17  }
0xa: {  	s16 =	sshrl.u32 s5, $0x3;
	s15 =	sadd.s32 s12, s4;
	[dreg:$0x18] =	wrdreg s18  }
0xb: {  	s19 =	sadd.s32 s16, s12;
	[dreg:$0x19] =	wrdreg s15  }
0xc: {  	s21 =	sadd.s32 $0x400, s14;
	s20 =	sadd.s32 s16, s11;
	[dreg:$0x8] =	wrdreg s19  }
0xd: {  	s23 =	sshrl.u32 s21, $0x3;
	s22 =	sadd.s32 s16, s9;
	[dreg:$0x9] =	wrdreg s20  }
0xe: {  	s13 =	sshrl.u32 s13, $0x3;
	s24 =	sadd.s32 s23, s12;
	[dreg:$0xa] =	wrdreg s22  }
0xf: {  	s5 =	sor.u32 $0x300, s14;
	s25 =	sadd.s32 s23, s11;
	[dreg:$0xb] =	wrdreg s24  }
0x10: {  	s10 =	sshll.u32 s10, $0x4;
	s26 =	sadd.s32 s23, s9;
	[dreg:$0xc] =	wrdreg s25  }
0x11: {  	s10 =	sadd.s32 s2, s10;
	s17 =	sor.u32 $0x20, s13;
	[dreg:$0xd] =	wrdreg s26  }
0x12: {  	s19 =	sshrl.u32 s5, $0x3;
	s5 =	sadd.s32 s9, s13;
	[smem:$0x7F8] =	sst s10  }
0x13: {  	s29 =	sadd.s32 s9, s17;
	[smem:$0x7F1] =	sst s5  }
0x14: {  	s30 =	simm.s32 $0x4;
	s20 =	sadd.s32 s11, s17;
	[dreg:$0x1a] =	wrdreg s29  }
0x15: {  	s31 =	simm.s32 $0x5;
	s21 =	sadd.s32 s19, s12;
	[dreg:$0x1b] =	wrdreg s20  }
0x16: {  	p0 =	sne.s32 s1, $0x0;
	s22 =	sadd.s32 s19, s11;
	[dreg:$0x11] =	wrdreg s21  }
0x17: {  	s3 =	smul.u32 $0x64000, s3;
	s24 =	sadd.s32 s12, s17;
	[dreg:$0x12] =	wrdreg s22  }
0x18: {  	s18 =	sor.u32 $0x380, s14;
	s23 =	sadd.s32 s19, s9;
	[dreg:$0x1c] =	wrdreg s24  }
0x19: {  	s28 =	sshrl.u32 s18, $0x3;
	s17 =	sadd.s32 s12, s13;
	[dreg:$0x13] =	wrdreg s23  }
0x1a: {  	s14 =	sor.u32 $0x280, s14;
	s0 =	sadd.s32 s28, s12;
	[smem:$0x7F3] =	sst s17  }
0x1b: {  	s26 =	sor.u32 $0x30, s13;
	s4 =	sadd.s32 s28, s11;
	[dreg:$0xe] =	wrdreg s0  }
0x1c: {  	s14 =	sshrl.u32 s14, $0x3;
	s16 =	sadd.s32 s28, s9;
	[dreg:$0xf] =	wrdreg s4  }
0x1d: {  	s15 =	simm.s32 $0x500;
	s25 =	sadd.s32 s14, s12;
	[dreg:$0x10] =	wrdreg s16  }
0x1e: {  	s18 =	smul.u32 $0x64000, s8;
	s28 =	sadd.s32 s14, s11;
	[dreg:$0x14] =	wrdreg s25  }
0x1f: {  	s8 =	smul.u32 $0x320000, s8;
	s29 =	sadd.s32 s9, s26;
	[dreg:$0x15] =	wrdreg s28  }
0x20: {  	s21 =	smul.u32 $0xC8000, s1;
	s17 =	simm.s32 $0x580;
	[dreg:$0x1d] =	wrdreg s29  }
0x21: {  	s0 =	sadd.s32 s11, s26;
	s4 =	sadd.s32 s12, s26;
	s16 =	sadd.s32 s11, s13  }
0x22: {  	s13 =	sor.u32 $0x40, s13;
	s22 =	sadd.s32 s2, s18;
	[dreg:$0x1e] =	wrdreg s0  }
0x23: {  	s8 =	sshrl.u32 s8, $0x3;
	s28 =	smax.u32 s7, $0x1;
	[dreg:$0x1f] =	wrdreg s4  }
0x24: {  	s7 =	simm.s32 $0x380;
	s18 =	simm.s32 $0x8;
	[smem:$0x7F2] =	sst s16  }
0x25: {  	s11 =	sadd.s32 s11, s13;
	s19 =	sadd.s32 s12, s13;
	s20 =	sadd.s32 s9, s13  }
0x26: {  	s9 =	sadd.s32 s14, s9;
	[smem:$0x7F7] =	sst s22;
	s23 =	sadd.s32 s21, s2  }
0x27: {  	s2 =	sadd.s32 s2, s8;
	[smem:$0x7FC] =	sst s28;
	s16 =	simm.s32 $0x300  }
0x28: {  	s22 =	simm.s32 $0x6;
	s8 =	simm.s32 $0x100;
	[smem:$0x7F4] =	sst s11  }
0x29: {  	s12 =	simm.s32 $0x7;
	s14 =	simm.s32 $0x1;
	[smem:$0x7F5] =	sst s19  }
0x2a: {  	s0 =	simm.s32 $0x0;
	[smem:$0x7F6] =	sst s20;
	s3 =	sadd.s32 s3, s23  }
0x2b: {  	[dreg:$0x16] =	wrdreg s9;
	s24 =	sadd.s32 $0x62800, s2;
	s25 =	sadd.s32 $0x63000, s2  }
0x2c: {  	s26 =	sadd.s32 $0x63800, s2;
	s11 =	simm.s32 $0x280;
	[smem:$0x7F9] =	sst s24  }
0x2d: {  	s23 =	simm.s32 $0x600;
	s20 =	simm.s32 $0x2;
	[smem:$0x7FA] =	sst s25  }
0x2e: {  	[smem:$0x7FB] =	sst s26;
	s29 =	sadd.s32 $0x1800, s3;
	s3 =	simm.s32 $0x80  }
0x2f: {  	s24 =	simm.s32 $0x9;
	s26 =	simm.s32 $0x3;
	[smem:$0x7FD] =	sst s29  }
.LBB2_1:
0x30: {  	[smem:$0x7F0] =	sst s0  }
0x31: {  	s5 =	rddreg [dreg:$0x5]  }
0x32: {  	s2 =	simm.s32 @!p0 $0x1C0B;
	s9 =	rddreg [dreg:$0x2];
	s1 =	sshrl.u32 @!p0 s5, $0x3  }
0x33: {  	[spmem:s1], [sflag:s2] =	dma.local @!p0 [hbm:s9], $0xC80  }
0x34: {  	s1 =	simm.s32 @!p0 $0xB  }
0x35: {  	_ =	swait.ge @!p0 [sflag:s1], $0xC80  }
0x36: {  	[sflag:s1] =	ssyncset.done @!p0 $0x0  }
0x37: {  	[sflag:s1] =	ssyncadd.s32 @!p0 $0xFFFFF380  }
0x38: {  	s25 =	rddreg [dreg:$0x6]  }
0x39: {  	s10 =	rddreg [dreg:$0x3];
	s9 =	sshrl.u32 @!p0 s25, $0x3  }
0x3a: {  	[spmem:s9], [sflag:s2] =	dma.local @!p0 [hbm:s10], $0x400  }
0x3b: {  	_ =	swait.ge @!p0 [sflag:s1], $0x400  }
0x3c: {  	[sflag:s1] =	ssyncset.done @!p0 $0x0  }
0x3d: {  	[sflag:s1] =	ssyncadd.s32 @!p0 $0xFFFFFC00  }
0x3e: {  	[bflag:$0x0] =	sbarrier.arrive $0xFFFF  }
0x3f: {  	s2 =	sld [smem:$0x7F1];
	_ =	sdelay $0x1  }
0x40: {  	s4 =	sld [smem:$0x7F2]  }
0x41: {  	[tilespmem:s6], [sflag:$0x6] =	stream.linear.gather [hbm4b:s2+s6], $0x80, $0x38;
	[tilespmem:$0x14FC0] =	vst v63  }
0x42: {  	s9 =	sld [smem:$0x7F3]  }
0x43: {  	[tilespmem:s11], [sflag:$0x6] =	stream.linear.gather [hbm4b:s4+s6], $0x80, $0x38;
	[tilespmem:$0x14FC0] =	vst v63  }
0x44: {  	_ = 	snop  }
0x45: {  	[tilespmem:s15], [sflag:$0x6] =	stream.linear.gather [hbm4b:s9+s6], $0x80, $0x38;
	[tilespmem:$0x14FC0] =	vst v63  }
0x46: {  	s10 =	rddreg [dreg:$0x17]  }
0x47: {  	[tilespmem:s3], [sflag:$0x7] =	stream.linear.gather [hbm4b:s10+s6], $0x80, $0x38;
	[tilespmem:$0x14FC0] =	vst v63  }
0x48: {  	s13 =	rddreg [dreg:$0x18]  }
0x49: {  	[tilespmem:s16], [sflag:$0x7] =	stream.linear.gather [hbm4b:s13+s6], $0x80, $0x38;
	[tilespmem:$0x14FC0] =	vst v63  }
0x4a: {  	s19 =	rddreg [dreg:$0x19]  }
0x4b: {  	[tilespmem:s17], [sflag:$0x7] =	stream.linear.gather [hbm4b:s19+s6], $0x80, $0x38;
	[tilespmem:$0x14FC0] =	vst v63  }
0x4c: {  	_ =	swait.ge [sflag:s22], $0x80  }
0x4d: {  	[sflag:s22] =	ssyncset.done $0x0  }
0x4e: {  	[sflag:s22] =	ssyncadd.s32 $0xFFFFFF80  }
0x4f: {  	_ =	swait.ge [sflag:s22], $0x80  }
0x50: {  	[sflag:s22] =	ssyncset.done $0x0  }
0x51: {  	[sflag:s22] =	ssyncadd.s32 $0xFFFFFF80  }
0x52: {  	_ =	swait.ge [sflag:s22], $0x80  }
0x53: {  	[sflag:s22] =	ssyncset.done $0x0  }
0x54: {  	[sflag:s22] =	ssyncadd.s32 $0xFFFFFF80  }
0x55: {  	s28 =	simm.s32 $0x780;
	s4 =	rddreg [dreg:$0x1]  }
0x56: {  	[tilespmem:s28], [sflag:$0x1] =	stream.indirect.gather [hbm4b:s4+s3], $0x80, s6, s3, $0xb8;
	[tilespmem:$0x14FC0] =	vst v63  }
0x57: {  	s21 =	rddreg [dreg:$0x1a]  }
0x58: {  	[tilespmem:s8], [sflag:$0x8] =	stream.linear.gather [hbm4b:s21+s6], $0x80, $0x38;
	[tilespmem:$0x14FC0] =	vst v63  }
0x59: {  	s29 =	rddreg [dreg:$0x1b]  }
0x5a: {  	[tilespmem:s7], [sflag:$0x8] =	stream.linear.gather [hbm4b:s29+s6], $0x80, $0x38;
	[tilespmem:$0x14FC0] =	vst v63  }
0x5b: {  	s0 =	rddreg [dreg:$0x1c]  }
0x5c: {  	[tilespmem:s23], [sflag:$0x8] =	stream.linear.gather [hbm4b:s0+s6], $0x80, $0x38;
	[tilespmem:$0x14FC0] =	vst v63  }
0x5d: {  	_ =	swait.ge [sflag:s12], $0x80  }
0x5e: {  	[sflag:s12] =	ssyncset.done $0x0  }
0x5f: {  	[sflag:s12] =	ssyncadd.s32 $0xFFFFFF80  }
0x60: {  	_ =	swait.ge [sflag:s12], $0x80  }
0x61: {  	[sflag:s12] =	ssyncset.done $0x0  }
0x62: {  	[sflag:s12] =	ssyncadd.s32 $0xFFFFFF80  }
0x63: {  	_ =	swait.ge [sflag:s12], $0x80  }
0x64: {  	[sflag:s12] =	ssyncset.done $0x0  }
0x65: {  	s13 =	simm.s32 $0x4780;
	[sflag:s12] =	ssyncadd.s32 $0xFFFFFF80  }
0x66: {  	[tilespmem:s13], [sflag:$0x2] =	stream.indirect.gather [hbm4b:s4+s3], $0x80, s3, s3, $0xb8;
	[tilespmem:$0x14FC0] =	vst v63  }
0x67: {  	_ =	swait.ge [sflag:s14], $0x4000  }
0x68: {  	[sflag:s14] =	ssyncset.done $0x0  }
0x69: {  	[sflag:s14] =	ssyncadd.s32 $0xFFFFC000  }
0x6a: {  	[tilespmem:s28], [sflag:$0x1] =	stream.indirect.gather.add.f32 [spmem:s5], $0x80, s11, s3, $0xb8;
	[tilespmem:$0x14FC0] =	vst v63  }
0x6b: {  	_ = 	snop  }
0x6c: {  	[tilespmem:s28], [sflag:$0x1] =	stream.indirect.gather.add.f32 [spmem:s25], $0x80, s15, s3, $0xb8;
	[tilespmem:$0x14FC0] =	vst v63  }
0x6d: {  	s9 =	simm.s32 $0x180;
	s2 =	rddreg [dreg:$0x1d]  }
0x6e: {  	[tilespmem:s9], [sflag:$0x9] =	stream.linear.gather [hbm4b:s2+s6], $0x80, $0x38;
	[tilespmem:$0x14FC0] =	vst v63  }
0x6f: {  	s19 =	simm.s32 $0x400;
	s10 =	rddreg [dreg:$0x1e]  }
0x70: {  	[tilespmem:s19], [sflag:$0x9] =	stream.linear.gather [hbm4b:s10+s6], $0x80, $0x38;
	[tilespmem:$0x14FC0] =	vst v63  }
0x71: {  	s29 =	simm.s32 $0x680;
	s21 =	rddreg [dreg:$0x1f]  }
0x72: {  	[tilespmem:s29], [sflag:$0x9] =	stream.linear.gather [hbm4b:s21+s6], $0x80, $0x38;
	[tilespmem:$0x14FC0] =	vst v63  }
0x73: {  	_ =	swait.ge [sflag:s18], $0x80  }
0x74: {  	[sflag:s18] =	ssyncset.done $0x0  }
0x75: {  	[sflag:s18] =	ssyncadd.s32 $0xFFFFFF80  }
0x76: {  	_ =	swait.ge [sflag:s18], $0x80  }
0x77: {  	[sflag:s18] =	ssyncset.done $0x0  }
0x78: {  	[sflag:s18] =	ssyncadd.s32 $0xFFFFFF80  }
0x79: {  	_ =	swait.ge [sflag:s18], $0x80  }
0x7a: {  	[sflag:s18] =	ssyncset.done $0x0  }
0x7b: {  	s19 =	simm.s32 $0x8780;
	[sflag:s18] =	ssyncadd.s32 $0xFFFFFF80  }
0x7c: {  	[tilespmem:s19], [sflag:$0x3] =	stream.indirect.gather [hbm4b:s4+s3], $0x80, s8, s3, $0xb8;
	[tilespmem:$0x14FC0] =	vst v63  }
0x7d: {  	_ =	swait.ge [sflag:s20], $0x4000  }
0x7e: {  	[sflag:s20] =	ssyncset.done $0x0  }
0x7f: {  	[sflag:s20] =	ssyncadd.s32 $0xFFFFC000  }
0x80: {  	[tilespmem:s13], [sflag:$0x2] =	stream.indirect.gather.add.f32 [spmem:s5], $0x80, s16, s3, $0xb8;
	[tilespmem:$0x14FC0] =	vst v63  }
0x81: {  	_ = 	snop  }
0x82: {  	[tilespmem:s13], [sflag:$0x2] =	stream.indirect.gather.add.f32 [spmem:s25], $0x80, s17, s3, $0xb8;
	[tilespmem:$0x14FC0] =	vst v63  }
0x83: {  	_ =	swait.ge [sflag:s14], $0x4000  }
0x84: {  	[sflag:s14] =	ssyncset.done $0x0  }
0x85: {  	[sflag:s14] =	ssyncadd.s32 $0xFFFFC000  }
0x86: {  	_ =	swait.ge [sflag:s14], $0x4000  }
0x87: {  	s9 =	sld [smem:$0x7F7]  }
0x88: {  	[sflag:s14] =	ssyncset.done $0x0  }
0x89: {  	s10 =	sld [smem:$0x7F6];
	[sflag:s14] =	ssyncadd.s32 $0xFFFFC000  }
0x8a: {  	[hbm4b:s9+s6] =	stream.linear.scatter [tilespmem:s28], [sflag:$0x1], $0x4000, $0x38;
	[tilespmem:$0x14FC0] =	vst v63  }
0x8b: {  	s29 =	simm.s32 $0x200;
	s9 =	sld [smem:$0x7F4]  }
0x8c: {  	[tilespmem:s29], [sflag:$0xA] =	stream.linear.gather [hbm4b:s10+s6], $0x80, $0x38;
	[tilespmem:$0x14FC0] =	vst v63  }
0x8d: {  	s29 =	simm.s32 $0x480  }
0x8e: {  	[tilespmem:s29], [sflag:$0xA] =	stream.linear.gather [hbm4b:s9+s6], $0x80, $0x38;
	[tilespmem:$0x14FC0] =	vst v63  }
0x8f: {  	s9 =	sld [smem:$0x7F5];
	_ =	sdelay $0x1  }
0x90: {  	s29 =	simm.s32 $0x700  }
0x91: {  	[tilespmem:s29], [sflag:$0xA] =	stream.linear.gather [hbm4b:s9+s6], $0x80, $0x38;
	[tilespmem:$0x14FC0] =	vst v63  }
0x92: {  	_ =	swait.ge [sflag:s24], $0x80  }
0x93: {  	[sflag:s24] =	ssyncset.done $0x0  }
0x94: {  	[sflag:s24] =	ssyncadd.s32 $0xFFFFFF80  }
0x95: {  	_ =	swait.ge [sflag:s24], $0x80  }
0x96: {  	[sflag:s24] =	ssyncset.done $0x0  }
0x97: {  	[sflag:s24] =	ssyncadd.s32 $0xFFFFFF80  }
0x98: {  	_ =	swait.ge [sflag:s24], $0x80  }
0x99: {  	[sflag:s24] =	ssyncset.done $0x0  }
0x9a: {  	s0 =	simm.s32 $0xC780;
	s2 =	simm.s32 $0x180;
	[sflag:s24] =	ssyncadd.s32 $0xFFFFFF80  }
0x9b: {  	[tilespmem:s0], [sflag:$0x4] =	stream.indirect.gather [hbm4b:s4+s3], $0x80, s2, s3, $0xb8;
	[tilespmem:$0x14FC0] =	vst v63  }
0x9c: {  	_ =	swait.ge [sflag:s26], $0x4000  }
0x9d: {  	[sflag:s26] =	ssyncset.done $0x0  }
0x9e: {  	[sflag:s26] =	ssyncadd.s32 $0xFFFFC000  }
0x9f: {  	[tilespmem:s19], [sflag:$0x3] =	stream.indirect.gather.add.f32 [spmem:s5], $0x80, s7, s3, $0xb8;
	[tilespmem:$0x14FC0] =	vst v63  }
0xa0: {  	_ = 	snop  }
0xa1: {  	[tilespmem:s19], [sflag:$0x3] =	stream.indirect.gather.add.f32 [spmem:s25], $0x80, s23, s3, $0xb8;
	[tilespmem:$0x14FC0] =	vst v63  }
0xa2: {  	_ =	swait.ge [sflag:s20], $0x4000  }
0xa3: {  	[sflag:s20] =	ssyncset.done $0x0  }
0xa4: {  	[sflag:s20] =	ssyncadd.s32 $0xFFFFC000  }
0xa5: {  	_ =	swait.ge [sflag:s20], $0x4000  }
0xa6: {  	s2 =	sld [smem:$0x7F8]  }
0xa7: {  	[sflag:s20] =	ssyncset.done $0x0  }
0xa8: {  	[sflag:s20] =	ssyncadd.s32 $0xFFFFC000  }
0xa9: {  	[hbm4b:s2+s6] =	stream.linear.scatter [tilespmem:s13], [sflag:$0x2], $0x4000, $0x38;
	[tilespmem:$0x14FC0] =	vst v63  }
0xaa: {  	_ =	swait.ge [sflag:s14], $0x4000  }
0xab: {  	s9 =	rddreg [dreg:$0x16];
	[sflag:s14] =	ssyncset.done $0x0  }
0xac: {  	s29 =	rddreg [dreg:$0x15];
	[sflag:s14] =	ssyncadd.s32 $0xFFFFC000;
	s1 =	sadd.s32 $0x0, s9  }
0xad: {  	[tilespmem:s6], [sflag:$0x6] =	stream.linear.gather [hbm4b:s1+s6], $0x80, $0x38;
	[tilespmem:$0x14FC0] =	vst v63  }
0xae: {  	s9 =	rddreg [dreg:$0x14];
	s29 =	sadd.s32 $0x0, s29  }
0xaf: {  	[tilespmem:s11], [sflag:$0x6] =	stream.linear.gather [hbm4b:s29+s6], $0x80, $0x38;
	[tilespmem:$0x14FC0] =	vst v63  }
0xb0: {  	s2 =	sadd.s32 $0x0, s9;
	s9 =	simm.s32 $0xA  }
0xb1: {  	[tilespmem:s15], [sflag:$0x6] =	stream.linear.gather [hbm4b:s2+s6], $0x80, $0x38;
	[tilespmem:$0x14FC0] =	vst v63  }
0xb2: {  	_ =	swait.ge [sflag:s9], $0x80  }
0xb3: {  	[sflag:s9] =	ssyncset.done $0x0  }
0xb4: {  	[sflag:s9] =	ssyncadd.s32 $0xFFFFFF80  }
0xb5: {  	_ =	swait.ge [sflag:s9], $0x80  }
0xb6: {  	[sflag:s9] =	ssyncset.done $0x0  }
0xb7: {  	[sflag:s9] =	ssyncadd.s32 $0xFFFFFF80  }
0xb8: {  	_ =	swait.ge [sflag:s9], $0x80  }
0xb9: {  	[sflag:s9] =	ssyncset.done $0x0  }
0xba: {  	s10 =	simm.s32 $0x200;
	s29 =	simm.s32 $0x10780;
	[sflag:s9] =	ssyncadd.s32 $0xFFFFFF80  }
0xbb: {  	[tilespmem:s29], [sflag:$0x5] =	stream.indirect.gather [hbm4b:s4+s3], $0x80, s10, s3, $0xb8;
	[tilespmem:$0x14FC0] =	vst v63  }
0xbc: {  	_ =	swait.ge [sflag:s30], $0x4000  }
0xbd: {  	[sflag:s30] =	ssyncset.done $0x0  }
0xbe: {  	s10 =	simm.s32 $0x400;
	[sflag:s30] =	ssyncadd.s32 $0xFFFFC000  }
0xbf: {  	[tilespmem:s0], [sflag:$0x4] =	stream.indirect.gather.add.f32 [spmem:s5], $0x80, s10, s3, $0xb8;
	[tilespmem:$0x14FC0] =	vst v63  }
0xc0: {  	s21 =	simm.s32 $0x680  }
0xc1: {  	[tilespmem:s0], [sflag:$0x4] =	stream.indirect.gather.add.f32 [spmem:s25], $0x80, s21, s3, $0xb8;
	[tilespmem:$0x14FC0] =	vst v63  }
0xc2: {  	_ =	swait.ge [sflag:s26], $0x4000  }
0xc3: {  	[sflag:s26] =	ssyncset.done $0x0  }
0xc4: {  	[sflag:s26] =	ssyncadd.s32 $0xFFFFC000  }
0xc5: {  	_ =	swait.ge [sflag:s26], $0x4000  }
0xc6: {  	s10 =	sld [smem:$0x7FD];
	_ =	sdelay $0x1  }
0xc7: {  	[sflag:s26] =	ssyncset.done $0x0  }
0xc8: {  	[sflag:s26] =	ssyncadd.s32 $0xFFFFC000;
	s2 =	sadd.s32 $0xFFFFF800, s10  }
0xc9: {  	[hbm4b:s2+s6] =	stream.linear.scatter [tilespmem:s19], [sflag:$0x3], $0x4000, $0x38;
	[tilespmem:$0x14FC0] =	vst v63  }
0xca: {  	_ =	swait.ge [sflag:s20], $0x4000  }
0xcb: {  	s9 =	rddreg [dreg:$0x13];
	[sflag:s20] =	ssyncset.done $0x0  }
0xcc: {  	s2 =	rddreg [dreg:$0x12];
	[sflag:s20] =	ssyncadd.s32 $0xFFFFC000;
	s1 =	sadd.s32 $0x0, s9  }
0xcd: {  	[tilespmem:s3], [sflag:$0x7] =	stream.linear.gather [hbm4b:s1+s6], $0x80, $0x38;
	[tilespmem:$0x14FC0] =	vst v63  }
0xce: {  	s9 =	rddreg [dreg:$0x11];
	s2 =	sadd.s32 $0x0, s2  }
0xcf: {  	[tilespmem:s16], [sflag:$0x7] =	stream.linear.gather [hbm4b:s2+s6], $0x80, $0x38;
	[tilespmem:$0x14FC0] =	vst v63  }
0xd0: {  	s2 =	sadd.s32 $0x0, s9  }
0xd1: {  	[tilespmem:s17], [sflag:$0x7] =	stream.linear.gather [hbm4b:s2+s6], $0x80, $0x38;
	[tilespmem:$0x14FC0] =	vst v63  }
0xd2: {  	_ =	swait.ge [sflag:s22], $0x80  }
0xd3: {  	[sflag:s22] =	ssyncset.done $0x0  }
0xd4: {  	[sflag:s22] =	ssyncadd.s32 $0xFFFFFF80  }
0xd5: {  	_ =	swait.ge [sflag:s22], $0x80  }
0xd6: {  	[sflag:s22] =	ssyncset.done $0x0  }
0xd7: {  	[sflag:s22] =	ssyncadd.s32 $0xFFFFFF80  }
0xd8: {  	_ =	swait.ge [sflag:s22], $0x80  }
0xd9: {  	[sflag:s22] =	ssyncset.done $0x0  }
0xda: {  	[sflag:s22] =	ssyncadd.s32 $0xFFFFFF80  }
0xdb: {  	[tilespmem:s28], [sflag:$0x1] =	stream.indirect.gather [hbm4b:s4+s3], $0x80, s6, s3, $0xb8;
	[tilespmem:$0x14FC0] =	vst v63  }
0xdc: {  	_ =	swait.ge [sflag:s31], $0x4000  }
0xdd: {  	[sflag:s31] =	ssyncset.done $0x0  }
0xde: {  	s9 =	simm.s32 $0x480;
	[sflag:s31] =	ssyncadd.s32 $0xFFFFC000  }
0xdf: {  	[tilespmem:s29], [sflag:$0x5] =	stream.indirect.gather.add.f32 [spmem:s5], $0x80, s9, s3, $0xb8;
	[tilespmem:$0x14FC0] =	vst v63  }
0xe0: {  	s2 =	simm.s32 $0x700  }
0xe1: {  	[tilespmem:s29], [sflag:$0x5] =	stream.indirect.gather.add.f32 [spmem:s25], $0x80, s2, s3, $0xb8;
	[tilespmem:$0x14FC0] =	vst v63  }
0xe2: {  	_ =	swait.ge [sflag:s30], $0x4000  }
0xe3: {  	[sflag:s30] =	ssyncset.done $0x0  }
0xe4: {  	[sflag:s30] =	ssyncadd.s32 $0xFFFFC000  }
0xe5: {  	_ =	swait.ge [sflag:s30], $0x4000  }
0xe6: {  	[sflag:s30] =	ssyncset.done $0x0  }
0xe7: {  	[sflag:s30] =	ssyncadd.s32 $0xFFFFC000  }
0xe8: {  	[hbm4b:s10+s6] =	stream.linear.scatter [tilespmem:s0], [sflag:$0x4], $0x4000, $0x38;
	[tilespmem:$0x14FC0] =	vst v63  }
0xe9: {  	_ =	swait.ge [sflag:s26], $0x4000  }
0xea: {  	s9 =	rddreg [dreg:$0x10];
	[sflag:s26] =	ssyncset.done $0x0  }
0xeb: {  	s2 =	rddreg [dreg:$0xf];
	[sflag:s26] =	ssyncadd.s32 $0xFFFFC000;
	s1 =	sadd.s32 $0x0, s9  }
0xec: {  	[tilespmem:s8], [sflag:$0x8] =	stream.linear.gather [hbm4b:s1+s6], $0x80, $0x38;
	[tilespmem:$0x14FC0] =	vst v63  }
0xed: {  	s9 =	rddreg [dreg:$0xe];
	s2 =	sadd.s32 $0x0, s2  }
0xee: {  	[tilespmem:s7], [sflag:$0x8] =	stream.linear.gather [hbm4b:s2+s6], $0x80, $0x38;
	[tilespmem:$0x14FC0] =	vst v63  }
0xef: {  	s9 =	sadd.s32 $0x0, s9  }
0xf0: {  	[tilespmem:s23], [sflag:$0x8] =	stream.linear.gather [hbm4b:s9+s6], $0x80, $0x38;
	[tilespmem:$0x14FC0] =	vst v63  }
0xf1: {  	_ =	swait.ge [sflag:s12], $0x80  }
0xf2: {  	[sflag:s12] =	ssyncset.done $0x0  }
0xf3: {  	[sflag:s12] =	ssyncadd.s32 $0xFFFFFF80  }
0xf4: {  	_ =	swait.ge [sflag:s12], $0x80  }
0xf5: {  	[sflag:s12] =	ssyncset.done $0x0  }
0xf6: {  	[sflag:s12] =	ssyncadd.s32 $0xFFFFFF80  }
0xf7: {  	_ =	swait.ge [sflag:s12], $0x80  }
0xf8: {  	[sflag:s12] =	ssyncset.done $0x0  }
0xf9: {  	[sflag:s12] =	ssyncadd.s32 $0xFFFFFF80  }
0xfa: {  	[tilespmem:s13], [sflag:$0x2] =	stream.indirect.gather [hbm4b:s4+s3], $0x80, s3, s3, $0xb8;
	[tilespmem:$0x14FC0] =	vst v63  }
0xfb: {  	_ =	swait.ge [sflag:s14], $0x4000  }
0xfc: {  	[sflag:s14] =	ssyncset.done $0x0  }
0xfd: {  	[sflag:s14] =	ssyncadd.s32 $0xFFFFC000  }
0xfe: {  	[tilespmem:s28], [sflag:$0x1] =	stream.indirect.gather.add.f32 [spmem:s5], $0x80, s11, s3, $0xb8;
	[tilespmem:$0x14FC0] =	vst v63  }
0xff: {  	_ = 	snop  }
0x100: {  	[tilespmem:s28], [sflag:$0x1] =	stream.indirect.gather.add.f32 [spmem:s25], $0x80, s15, s3, $0xb8;
	[tilespmem:$0x14FC0] =	vst v63  }
0x101: {  	_ =	swait.ge [sflag:s31], $0x4000  }
0x102: {  	[sflag:s31] =	ssyncset.done $0x0  }
0x103: {  	[sflag:s31] =	ssyncadd.s32 $0xFFFFC000  }
0x104: {  	_ =	swait.ge [sflag:s31], $0x4000  }
0x105: {  	[sflag:s31] =	ssyncset.done $0x0  }
0x106: {  	s15 =	sadd.s32 $0x800, s10;
	[sflag:s31] =	ssyncadd.s32 $0xFFFFC000  }
0x107: {  	[hbm4b:s15+s6] =	stream.linear.scatter [tilespmem:s29], [sflag:$0x5], $0x4000, $0x38;
	[tilespmem:$0x14FC0] =	vst v63  }
0x108: {  	_ =	swait.ge [sflag:s30], $0x4000  }
0x109: {  	s11 =	simm.s32 $0x180;
	s2 =	rddreg [dreg:$0xd];
	[sflag:s30] =	ssyncset.done $0x0  }
0x10a: {  	s9 =	rddreg [dreg:$0xc];
	[sflag:s30] =	ssyncadd.s32 $0xFFFFC000;
	s1 =	sadd.s32 $0x0, s2  }
0x10b: {  	[tilespmem:s11], [sflag:$0x9] =	stream.linear.gather [hbm4b:s1+s6], $0x80, $0x38;
	[tilespmem:$0x14FC0] =	vst v63  }
0x10c: {  	s29 =	simm.s32 $0x400;
	s12 =	rddreg [dreg:$0xb];
	s15 =	sadd.s32 $0x0, s9  }
0x10d: {  	[tilespmem:s29], [sflag:$0x9] =	stream.linear.gather [hbm4b:s15+s6], $0x80, $0x38;
	[tilespmem:$0x14FC0] =	vst v63  }
0x10e: {  	s21 =	simm.s32 $0x680;
	s2 =	sadd.s32 $0x0, s12  }
0x10f: {  	[tilespmem:s21], [sflag:$0x9] =	stream.linear.gather [hbm4b:s2+s6], $0x80, $0x38;
	[tilespmem:$0x14FC0] =	vst v63  }
0x110: {  	_ =	swait.ge [sflag:s18], $0x80  }
0x111: {  	[sflag:s18] =	ssyncset.done $0x0  }
0x112: {  	[sflag:s18] =	ssyncadd.s32 $0xFFFFFF80  }
0x113: {  	_ =	swait.ge [sflag:s18], $0x80  }
0x114: {  	[sflag:s18] =	ssyncset.done $0x0  }
0x115: {  	[sflag:s18] =	ssyncadd.s32 $0xFFFFFF80  }
0x116: {  	_ =	swait.ge [sflag:s18], $0x80  }
0x117: {  	[sflag:s18] =	ssyncset.done $0x0  }
0x118: {  	[sflag:s18] =	ssyncadd.s32 $0xFFFFFF80  }
0x119: {  	[tilespmem:s19], [sflag:$0x3] =	stream.indirect.gather [hbm4b:s4+s3], $0x80, s8, s3, $0xb8;
	[tilespmem:$0x14FC0] =	vst v63  }
0x11a: {  	_ =	swait.ge [sflag:s20], $0x4000  }
0x11b: {  	[sflag:s20] =	ssyncset.done $0x0  }
0x11c: {  	[sflag:s20] =	ssyncadd.s32 $0xFFFFC000  }
0x11d: {  	[tilespmem:s13], [sflag:$0x2] =	stream.indirect.gather.add.f32 [spmem:s5], $0x80, s16, s3, $0xb8;
	[tilespmem:$0x14FC0] =	vst v63  }
0x11e: {  	_ = 	snop  }
0x11f: {  	[tilespmem:s13], [sflag:$0x2] =	stream.indirect.gather.add.f32 [spmem:s25], $0x80, s17, s3, $0xb8;
	[tilespmem:$0x14FC0] =	vst v63  }
0x120: {  	_ =	swait.ge [sflag:s14], $0x4000  }
0x121: {  	[sflag:s14] =	ssyncset.done $0x0  }
0x122: {  	[sflag:s14] =	ssyncadd.s32 $0xFFFFC000  }
0x123: {  	_ =	swait.ge [sflag:s14], $0x4000  }
0x124: {  	[sflag:s14] =	ssyncset.done $0x0  }
0x125: {  	s8 =	sadd.s32 $0x1000, s10;
	[sflag:s14] =	ssyncadd.s32 $0xFFFFC000  }
0x126: {  	[hbm4b:s8+s6] =	stream.linear.scatter [tilespmem:s28], [sflag:$0x1], $0x4000, $0x38;
	[tilespmem:$0x14FC0] =	vst v63  }
0x127: {  	_ =	swait.ge [sflag:s31], $0x4000  }
0x128: {  	s15 =	simm.s32 $0x200;
	s9 =	rddreg [dreg:$0xa];
	[sflag:s31] =	ssyncset.done $0x0  }
0x129: {  	s12 =	rddreg [dreg:$0x9];
	[sflag:s31] =	ssyncadd.s32 $0xFFFFC000;
	s1 =	sadd.s32 $0x0, s9  }
0x12a: {  	[tilespmem:s15], [sflag:$0xA] =	stream.linear.gather [hbm4b:s1+s6], $0x80, $0x38;
	[tilespmem:$0x14FC0] =	vst v63  }
0x12b: {  	s17 =	simm.s32 $0x480;
	s13 =	rddreg [dreg:$0x8];
	s16 =	sadd.s32 $0x0, s12  }
0x12c: {  	[tilespmem:s17], [sflag:$0xA] =	stream.linear.gather [hbm4b:s16+s6], $0x80, $0x38;
	[tilespmem:$0x14FC0] =	vst v63  }
0x12d: {  	s29 =	simm.s32 $0x700;
	s18 =	sadd.s32 $0x0, s13  }
0x12e: {  	[tilespmem:s29], [sflag:$0xA] =	stream.linear.gather [hbm4b:s18+s6], $0x80, $0x38;
	[tilespmem:$0x14FC0] =	vst v63  }
0x12f: {  	_ =	swait.ge [sflag:s24], $0x80  }
0x130: {  	[sflag:s24] =	ssyncset.done $0x0  }
0x131: {  	[sflag:s24] =	ssyncadd.s32 $0xFFFFFF80  }
0x132: {  	_ =	swait.ge [sflag:s24], $0x80  }
0x133: {  	[sflag:s24] =	ssyncset.done $0x0  }
0x134: {  	[sflag:s24] =	ssyncadd.s32 $0xFFFFFF80  }
0x135: {  	_ =	swait.ge [sflag:s24], $0x80  }
0x136: {  	[sflag:s24] =	ssyncset.done $0x0  }
0x137: {  	[sflag:s24] =	ssyncadd.s32 $0xFFFFFF80  }
0x138: {  	[tilespmem:s0], [sflag:$0x4] =	stream.indirect.gather [hbm4b:s4+s3], $0x80, s11, s3, $0xb8;
	[tilespmem:$0x14FC0] =	vst v63  }
0x139: {  	_ =	swait.ge [sflag:s26], $0x4000  }
0x13a: {  	[sflag:s26] =	ssyncset.done $0x0  }
0x13b: {  	[sflag:s26] =	ssyncadd.s32 $0xFFFFC000  }
0x13c: {  	[tilespmem:s19], [sflag:$0x3] =	stream.indirect.gather.add.f32 [spmem:s5], $0x80, s7, s3, $0xb8;
	[tilespmem:$0x14FC0] =	vst v63  }
0x13d: {  	_ = 	snop  }
0x13e: {  	[tilespmem:s19], [sflag:$0x3] =	stream.indirect.gather.add.f32 [spmem:s25], $0x80, s23, s3, $0xb8;
	[tilespmem:$0x14FC0] =	vst v63  }
0x13f: {  	_ =	swait.ge [sflag:s20], $0x4000  }
0x140: {  	[sflag:s20] =	ssyncset.done $0x0  }
0x141: {  	s21 =	simm.s32 $0x780;
	[sflag:s20] =	ssyncadd.s32 $0xFFFFC000  }
0x142: {  	s2 =	sadd.s32 $0x2800, s10;
	s28 =	simm.s32 $0x9;
	_ =	swait.ge [sflag:s20], $0x4000  }
0x143: {  	s9 =	sadd.s32 $0x1800, s10;
	s1 =	simm.s32 $0x50;
	[sflag:s20] =	ssyncset.done $0x0  }
0x144: {  	s18 =	simm.s32 $0x7;
	s24 =	simm.s32 $0x8;
	[sflag:s20] =	ssyncadd.s32 $0xFFFFC000  }
.LBB2_2:
0x145: {  	s19 =	simm.s32 $0x4780  }
0x146: {  	[hbm4b:s9+s6] =	stream.linear.scatter [tilespmem:s19], [sflag:$0x2], $0x4000, $0x38;
	[tilespmem:$0x14FC0] =	vst v63  }
0x147: {  	_ =	swait.ge [sflag:s14], $0x4000  }
0x148: {  	s9 =	smov.u32 s1;
	s10 =	rddreg [dreg:$0x16];
	[sflag:s14] =	ssyncset.done $0x0  }
0x149: {  	s11 =	rddreg [dreg:$0x15];
	[sflag:s14] =	ssyncadd.s32 $0xFFFFC000;
	s10 =	sadd.s32 s9, s10  }
0x14a: {  	[tilespmem:s6], [sflag:$0x6] =	stream.linear.gather [hbm4b:s10+s6], $0x80, $0x38;
	[tilespmem:$0x14FC0] =	vst v63  }
0x14b: {  	s16 =	simm.s32 $0x280;
	s15 =	rddreg [dreg:$0x14];
	s8 =	sadd.s32 s9, s11  }
0x14c: {  	[tilespmem:s16], [sflag:$0x6] =	stream.linear.gather [hbm4b:s8+s6], $0x80, $0x38;
	[tilespmem:$0x14FC0] =	vst v63  }
0x14d: {  	s12 =	simm.s32 $0x500;
	s0 =	simm.s32 $0xA;
	s11 =	sadd.s32 s9, s15  }
0x14e: {  	[tilespmem:s12], [sflag:$0x6] =	stream.linear.gather [hbm4b:s11+s6], $0x80, $0x38;
	[tilespmem:$0x14FC0] =	vst v63  }
0x14f: {  	_ =	swait.ge [sflag:s0], $0x80  }
0x150: {  	[sflag:s0] =	ssyncset.done $0x0  }
0x151: {  	[sflag:s0] =	ssyncadd.s32 $0xFFFFFF80  }
0x152: {  	_ =	swait.ge [sflag:s0], $0x80  }
0x153: {  	[sflag:s0] =	ssyncset.done $0x0  }
0x154: {  	[sflag:s0] =	ssyncadd.s32 $0xFFFFFF80  }
0x155: {  	_ =	swait.ge [sflag:s0], $0x80  }
0x156: {  	[sflag:s0] =	ssyncset.done $0x0  }
0x157: {  	[sflag:s0] =	ssyncadd.s32 $0xFFFFFF80  }
0x158: {  	s13 =	simm.s32 $0x200;
	s23 =	simm.s32 $0x10780;
	s4 =	rddreg [dreg:$0x1]  }
0x159: {  	[tilespmem:s23], [sflag:$0x5] =	stream.indirect.gather [hbm4b:s4+s3], $0x80, s13, s3, $0xb8;
	[tilespmem:$0x14FC0] =	vst v63  }
0x15a: {  	_ =	swait.ge [sflag:s30], $0x4000  }
0x15b: {  	[sflag:s30] =	ssyncset.done $0x0  }
0x15c: {  	[sflag:s30] =	ssyncadd.s32 $0xFFFFC000  }
0x15d: {  	s7 =	simm.s32 $0x400;
	s0 =	simm.s32 $0xC780;
	s5 =	rddreg [dreg:$0x5]  }
0x15e: {  	[tilespmem:s0], [sflag:$0x4] =	stream.indirect.gather.add.f32 [spmem:s5], $0x80, s7, s3, $0xb8;
	[tilespmem:$0x14FC0] =	vst v63  }
0x15f: {  	s8 =	simm.s32 $0x680;
	s7 =	rddreg [dreg:$0x6]  }
0x160: {  	[tilespmem:s0], [sflag:$0x4] =	stream.indirect.gather.add.f32 [spmem:s7], $0x80, s8, s3, $0xb8;
	[tilespmem:$0x14FC0] =	vst v63  }
0x161: {  	_ =	swait.ge [sflag:s26], $0x4000  }
0x162: {  	[sflag:s26] =	ssyncset.done $0x0  }
0x163: {  	[sflag:s26] =	ssyncadd.s32 $0xFFFFC000  }
0x164: {  	_ =	swait.ge [sflag:s26], $0x4000  }
0x165: {  	[sflag:s26] =	ssyncset.done $0x0  }
0x166: {  	s29 =	simm.s32 $0x8780;
	s15 =	sadd.s32 $0xFFFFF800, s2;
	[sflag:s26] =	ssyncadd.s32 $0xFFFFC000  }
0x167: {  	[hbm4b:s15+s6] =	stream.linear.scatter [tilespmem:s29], [sflag:$0x3], $0x4000, $0x38;
	[tilespmem:$0x14FC0] =	vst v63  }
0x168: {  	_ =	swait.ge [sflag:s20], $0x4000  }
0x169: {  	s17 =	rddreg [dreg:$0x13];
	[sflag:s20] =	ssyncset.done $0x0  }
0x16a: {  	s25 =	rddreg [dreg:$0x12];
	[sflag:s20] =	ssyncadd.s32 $0xFFFFC000;
	s10 =	sadd.s32 s9, s17  }
0x16b: {  	[tilespmem:s3], [sflag:$0x7] =	stream.linear.gather [hbm4b:s10+s6], $0x80, $0x38;
	[tilespmem:$0x14FC0] =	vst v63  }
0x16c: {  	s8 =	rddreg [dreg:$0x11];
	s13 =	sadd.s32 s9, s25;
	s17 =	simm.s32 $0x300  }
0x16d: {  	[tilespmem:s17], [sflag:$0x7] =	stream.linear.gather [hbm4b:s13+s6], $0x80, $0x38;
	[tilespmem:$0x14FC0] =	vst v63  }
0x16e: {  	s25 =	sadd.s32 s9, s8;
	s8 =	simm.s32 $0x580  }
0x16f: {  	[tilespmem:s8], [sflag:$0x7] =	stream.linear.gather [hbm4b:s25+s6], $0x80, $0x38;
	[tilespmem:$0x14FC0] =	vst v63  }
0x170: {  	_ =	swait.ge [sflag:s22], $0x80  }
0x171: {  	[sflag:s22] =	ssyncset.done $0x0  }
0x172: {  	[sflag:s22] =	ssyncadd.s32 $0xFFFFFF80  }
0x173: {  	_ =	swait.ge [sflag:s22], $0x80  }
0x174: {  	[sflag:s22] =	ssyncset.done $0x0  }
0x175: {  	[sflag:s22] =	ssyncadd.s32 $0xFFFFFF80  }
0x176: {  	_ =	swait.ge [sflag:s22], $0x80  }
0x177: {  	[sflag:s22] =	ssyncset.done $0x0  }
0x178: {  	[sflag:s22] =	ssyncadd.s32 $0xFFFFFF80  }
0x179: {  	[tilespmem:s21], [sflag:$0x1] =	stream.indirect.gather [hbm4b:s4+s3], $0x80, s6, s3, $0xb8;
	[tilespmem:$0x14FC0] =	vst v63  }
0x17a: {  	_ =	swait.ge [sflag:s31], $0x4000  }
0x17b: {  	[sflag:s31] =	ssyncset.done $0x0  }
0x17c: {  	s21 =	simm.s32 $0x480;
	[sflag:s31] =	ssyncadd.s32 $0xFFFFC000  }
0x17d: {  	[tilespmem:s23], [sflag:$0x5] =	stream.indirect.gather.add.f32 [spmem:s5], $0x80, s21, s3, $0xb8;
	[tilespmem:$0x14FC0] =	vst v63  }
0x17e: {  	s11 =	simm.s32 $0x700  }
0x17f: {  	[tilespmem:s23], [sflag:$0x5] =	stream.indirect.gather.add.f32 [spmem:s7], $0x80, s11, s3, $0xb8;
	[tilespmem:$0x14FC0] =	vst v63  }
0x180: {  	_ =	swait.ge [sflag:s30], $0x4000  }
0x181: {  	[sflag:s30] =	ssyncset.done $0x0  }
0x182: {  	[sflag:s30] =	ssyncadd.s32 $0xFFFFC000  }
0x183: {  	_ =	swait.ge [sflag:s30], $0x4000  }
0x184: {  	[sflag:s30] =	ssyncset.done $0x0  }
0x185: {  	[sflag:s30] =	ssyncadd.s32 $0xFFFFC000  }
0x186: {  	[hbm4b:s2+s6] =	stream.linear.scatter [tilespmem:s0], [sflag:$0x4], $0x4000, $0x38;
	[tilespmem:$0x14FC0] =	vst v63  }
0x187: {  	_ =	swait.ge [sflag:s26], $0x4000  }
0x188: {  	s25 =	simm.s32 $0x100;
	s15 =	rddreg [dreg:$0x10];
	[sflag:s26] =	ssyncset.done $0x0  }
0x189: {  	s22 =	rddreg [dreg:$0xf];
	[sflag:s26] =	ssyncadd.s32 $0xFFFFC000;
	s10 =	sadd.s32 s9, s15  }
0x18a: {  	[tilespmem:s25], [sflag:$0x8] =	stream.linear.gather [hbm4b:s10+s6], $0x80, $0x38;
	[tilespmem:$0x14FC0] =	vst v63  }
0x18b: {  	s15 =	rddreg [dreg:$0xe];
	s11 =	sadd.s32 s9, s22;
	s22 =	simm.s32 $0x380  }
0x18c: {  	[tilespmem:s22], [sflag:$0x8] =	stream.linear.gather [hbm4b:s11+s6], $0x80, $0x38;
	[tilespmem:$0x14FC0] =	vst v63  }
0x18d: {  	s11 =	sadd.s32 s9, s15;
	s15 =	simm.s32 $0x600  }
0x18e: {  	[tilespmem:s15], [sflag:$0x8] =	stream.linear.gather [hbm4b:s11+s6], $0x80, $0x38;
	[tilespmem:$0x14FC0] =	vst v63  }
0x18f: {  	_ =	swait.ge [sflag:s18], $0x80  }
0x190: {  	[sflag:s18] =	ssyncset.done $0x0  }
0x191: {  	[sflag:s18] =	ssyncadd.s32 $0xFFFFFF80  }
0x192: {  	_ =	swait.ge [sflag:s18], $0x80  }
0x193: {  	[sflag:s18] =	ssyncset.done $0x0  }
0x194: {  	[sflag:s18] =	ssyncadd.s32 $0xFFFFFF80  }
0x195: {  	_ =	swait.ge [sflag:s18], $0x80  }
0x196: {  	[sflag:s18] =	ssyncset.done $0x0  }
0x197: {  	[sflag:s18] =	ssyncadd.s32 $0xFFFFFF80  }
0x198: {  	[tilespmem:s19], [sflag:$0x2] =	stream.indirect.gather [hbm4b:s4+s3], $0x80, s3, s3, $0xb8;
	[tilespmem:$0x14FC0] =	vst v63  }
0x199: {  	_ =	swait.ge [sflag:s14], $0x4000  }
0x19a: {  	[sflag:s14] =	ssyncset.done $0x0  }
0x19b: {  	s13 =	simm.s32 $0x780;
	[sflag:s14] =	ssyncadd.s32 $0xFFFFC000  }
0x19c: {  	[tilespmem:s13], [sflag:$0x1] =	stream.indirect.gather.add.f32 [spmem:s5], $0x80, s16, s3, $0xb8;
	[tilespmem:$0x14FC0] =	vst v63  }
0x19d: {  	_ = 	snop  }
0x19e: {  	[tilespmem:s13], [sflag:$0x1] =	stream.indirect.gather.add.f32 [spmem:s7], $0x80, s12, s3, $0xb8;
	[tilespmem:$0x14FC0] =	vst v63  }
0x19f: {  	_ =	swait.ge [sflag:s31], $0x4000  }
0x1a0: {  	[sflag:s31] =	ssyncset.done $0x0  }
0x1a1: {  	[sflag:s31] =	ssyncadd.s32 $0xFFFFC000  }
0x1a2: {  	_ =	swait.ge [sflag:s31], $0x4000  }
0x1a3: {  	[sflag:s31] =	ssyncset.done $0x0  }
0x1a4: {  	s16 =	sadd.s32 $0x800, s2;
	[sflag:s31] =	ssyncadd.s32 $0xFFFFC000  }
0x1a5: {  	[hbm4b:s16+s6] =	stream.linear.scatter [tilespmem:s23], [sflag:$0x5], $0x4000, $0x38;
	[tilespmem:$0x14FC0] =	vst v63  }
0x1a6: {  	_ =	swait.ge [sflag:s30], $0x4000  }
0x1a7: {  	s22 =	rddreg [dreg:$0xd]  }
0x1a8: {  	[sflag:s30] =	ssyncset.done $0x0;
	s23 =	rddreg [dreg:$0xc]  }
0x1a9: {  	[sflag:s30] =	ssyncadd.s32 $0xFFFFC000;
	s10 =	sadd.s32 s9, s22;
	s22 =	simm.s32 $0x180  }
0x1aa: {  	[tilespmem:s22], [sflag:$0x9] =	stream.linear.gather [hbm4b:s10+s6], $0x80, $0x38;
	[tilespmem:$0x14FC0] =	vst v63  }
0x1ab: {  	s16 =	simm.s32 $0x400;
	s15 =	rddreg [dreg:$0xb];
	s12 =	sadd.s32 s9, s23  }
0x1ac: {  	[tilespmem:s16], [sflag:$0x9] =	stream.linear.gather [hbm4b:s12+s6], $0x80, $0x38;
	[tilespmem:$0x14FC0] =	vst v63  }
0x1ad: {  	s12 =	sadd.s32 s9, s15;
	s15 =	simm.s32 $0x680  }
0x1ae: {  	[tilespmem:s15], [sflag:$0x9] =	stream.linear.gather [hbm4b:s12+s6], $0x80, $0x38;
	[tilespmem:$0x14FC0] =	vst v63  }
0x1af: {  	_ =	swait.ge [sflag:s24], $0x80  }
0x1b0: {  	[sflag:s24] =	ssyncset.done $0x0  }
0x1b1: {  	[sflag:s24] =	ssyncadd.s32 $0xFFFFFF80  }
0x1b2: {  	_ =	swait.ge [sflag:s24], $0x80  }
0x1b3: {  	[sflag:s24] =	ssyncset.done $0x0  }
0x1b4: {  	[sflag:s24] =	ssyncadd.s32 $0xFFFFFF80  }
0x1b5: {  	_ =	swait.ge [sflag:s24], $0x80  }
0x1b6: {  	[sflag:s24] =	ssyncset.done $0x0  }
0x1b7: {  	[sflag:s24] =	ssyncadd.s32 $0xFFFFFF80  }
0x1b8: {  	[tilespmem:s29], [sflag:$0x3] =	stream.indirect.gather [hbm4b:s4+s3], $0x80, s25, s3, $0xb8;
	[tilespmem:$0x14FC0] =	vst v63  }
0x1b9: {  	_ =	swait.ge [sflag:s20], $0x4000  }
0x1ba: {  	[sflag:s20] =	ssyncset.done $0x0  }
0x1bb: {  	[sflag:s20] =	ssyncadd.s32 $0xFFFFC000  }
0x1bc: {  	[tilespmem:s19], [sflag:$0x2] =	stream.indirect.gather.add.f32 [spmem:s5], $0x80, s17, s3, $0xb8;
	[tilespmem:$0x14FC0] =	vst v63  }
0x1bd: {  	_ = 	snop  }
0x1be: {  	[tilespmem:s19], [sflag:$0x2] =	stream.indirect.gather.add.f32 [spmem:s7], $0x80, s8, s3, $0xb8;
	[tilespmem:$0x14FC0] =	vst v63  }
0x1bf: {  	_ =	swait.ge [sflag:s14], $0x4000  }
0x1c0: {  	[sflag:s14] =	ssyncset.done $0x0  }
0x1c1: {  	[sflag:s14] =	ssyncadd.s32 $0xFFFFC000  }
0x1c2: {  	_ =	swait.ge [sflag:s14], $0x4000  }
0x1c3: {  	[sflag:s14] =	ssyncset.done $0x0  }
0x1c4: {  	s8 =	sadd.s32 $0x1000, s2;
	[sflag:s14] =	ssyncadd.s32 $0xFFFFC000  }
0x1c5: {  	[hbm4b:s8+s6] =	stream.linear.scatter [tilespmem:s13], [sflag:$0x1], $0x4000, $0x38;
	[tilespmem:$0x14FC0] =	vst v63  }
0x1c6: {  	_ =	swait.ge [sflag:s31], $0x4000  }
0x1c7: {  	s19 =	simm.s32 $0x200;
	s11 =	rddreg [dreg:$0xa];
	[sflag:s31] =	ssyncset.done $0x0  }
0x1c8: {  	s12 =	rddreg [dreg:$0x9];
	[sflag:s31] =	ssyncadd.s32 $0xFFFFC000;
	s10 =	sadd.s32 s9, s11  }
0x1c9: {  	[tilespmem:s19], [sflag:$0xA] =	stream.linear.gather [hbm4b:s10+s6], $0x80, $0x38;
	[tilespmem:$0x14FC0] =	vst v63  }
0x1ca: {  	s13 =	rddreg [dreg:$0x8];
	s12 =	sadd.s32 s9, s12  }
0x1cb: {  	[tilespmem:s21], [sflag:$0xA] =	stream.linear.gather [hbm4b:s12+s6], $0x80, $0x38;
	[tilespmem:$0x14FC0] =	vst v63  }
0x1cc: {  	s9 =	sadd.s32 s9, s13;
	s13 =	simm.s32 $0x700  }
0x1cd: {  	[tilespmem:s13], [sflag:$0xA] =	stream.linear.gather [hbm4b:s9+s6], $0x80, $0x38;
	[tilespmem:$0x14FC0] =	vst v63  }
0x1ce: {  	_ =	swait.ge [sflag:s28], $0x80  }
0x1cf: {  	[sflag:s28] =	ssyncset.done $0x0  }
0x1d0: {  	[sflag:s28] =	ssyncadd.s32 $0xFFFFFF80  }
0x1d1: {  	_ =	swait.ge [sflag:s28], $0x80  }
0x1d2: {  	[sflag:s28] =	ssyncset.done $0x0  }
0x1d3: {  	[sflag:s28] =	ssyncadd.s32 $0xFFFFFF80  }
0x1d4: {  	_ =	swait.ge [sflag:s28], $0x80  }
0x1d5: {  	[sflag:s28] =	ssyncset.done $0x0  }
0x1d6: {  	[sflag:s28] =	ssyncadd.s32 $0xFFFFFF80  }
0x1d7: {  	[tilespmem:s0], [sflag:$0x4] =	stream.indirect.gather [hbm4b:s4+s3], $0x80, s22, s3, $0xb8;
	[tilespmem:$0x14FC0] =	vst v63  }
0x1d8: {  	_ =	swait.ge [sflag:s26], $0x4000  }
0x1d9: {  	[sflag:s26] =	ssyncset.done $0x0  }
0x1da: {  	s15 =	simm.s32 $0x380;
	[sflag:s26] =	ssyncadd.s32 $0xFFFFC000  }
0x1db: {  	[tilespmem:s29], [sflag:$0x3] =	stream.indirect.gather.add.f32 [spmem:s5], $0x80, s15, s3, $0xb8;
	[tilespmem:$0x14FC0] =	vst v63  }
0x1dc: {  	p1 =	sne.s32 s1, $0xBE0;
	s1 =	sadd.s32 $0x50, s1;
	s19 =	simm.s32 $0x600  }
0x1dd: {  	[tilespmem:s29], [sflag:$0x3] =	stream.indirect.gather.add.f32 [spmem:s7], $0x80, s19, s3, $0xb8;
	[tilespmem:$0x14FC0] =	vst v63  }
0x1de: {  	s23 =	simm.s32 $0x400;
	s16 =	simm.s32 $0x680;
	_ =	swait.ge [sflag:s20], $0x4000  }
.Ltmp0:
0x1df: {  	s25 =	simm.s32 $0x4780;
	[sflag:s20] =	ssyncset.done $0x0;
	(pc) =	sbr.rel @p1 .LBB2_2-.Ltmp0, $4  }
0x1e0: {  	s17 =	simm.s32 $0x200;
	s11 =	simm.s32 $0x480;
	[sflag:s20] =	ssyncadd.s32 $0xFFFFC000  }
0x1e1: {  	s10 =	simm.s32 $0x700;
	s21 =	simm.s32 $0x780;
	_ =	swait.ge [sflag:s20], $0x4000  }
0x1e2: {  	s13 =	simm.s32 $0x8780;
	s9 =	sadd.s32 $0x1800, s2;
	[sflag:s20] =	ssyncset.done $0x0  }
0x1e3: {  	s2 =	sadd.s32 $0x2800, s2;
	s22 =	simm.s32 $0x6;
	[sflag:s20] =	ssyncadd.s32 $0xFFFFC000  }
0x1e4: {  	[hbm4b:s9+s6] =	stream.linear.scatter [tilespmem:s25], [sflag:$0x2], $0x4000, $0x38;
	[tilespmem:$0x14FC0] =	vst v63  }
0x1e5: {  	s0 =	simm.s32 $0xA  }
0x1e6: {  	_ =	swait.ge [sflag:s0], $0x80  }
0x1e7: {  	[sflag:s0] =	ssyncset.done $0x0  }
0x1e8: {  	[sflag:s0] =	ssyncadd.s32 $0xFFFFFF80  }
0x1e9: {  	_ =	swait.ge [sflag:s0], $0x80  }
0x1ea: {  	[sflag:s0] =	ssyncset.done $0x0  }
0x1eb: {  	[sflag:s0] =	ssyncadd.s32 $0xFFFFFF80  }
0x1ec: {  	_ =	swait.ge [sflag:s0], $0x80  }
0x1ed: {  	[sflag:s0] =	ssyncset.done $0x0  }
0x1ee: {  	[sflag:s0] =	ssyncadd.s32 $0xFFFFFF80  }
0x1ef: {  	s5 =	simm.s32 $0x10780;
	s0 =	rddreg [dreg:$0x1]  }
0x1f0: {  	[tilespmem:s5], [sflag:$0x5] =	stream.indirect.gather [hbm4b:s0+s3], $0x80, s17, s3, $0xb8;
	[tilespmem:$0x14FC0] =	vst v63  }
0x1f1: {  	_ =	swait.ge [sflag:s30], $0x4000  }
0x1f2: {  	[sflag:s30] =	ssyncset.done $0x0  }
0x1f3: {  	[sflag:s30] =	ssyncadd.s32 $0xFFFFC000  }
0x1f4: {  	s21 =	simm.s32 $0xC780;
	s2 =	rddreg [dreg:$0x5]  }
0x1f5: {  	[tilespmem:s21], [sflag:$0x4] =	stream.indirect.gather.add.f32 [spmem:s2], $0x80, s23, s3, $0xb8;
	[tilespmem:$0x14FC0] =	vst v63  }
0x1f6: {  	s4 =	rddreg [dreg:$0x6]  }
0x1f7: {  	[tilespmem:s21], [sflag:$0x4] =	stream.indirect.gather.add.f32 [spmem:s4], $0x80, s16, s3, $0xb8;
	[tilespmem:$0x14FC0] =	vst v63  }
0x1f8: {  	_ =	swait.ge [sflag:s26], $0x4000  }
0x1f9: {  	[sflag:s26] =	ssyncset.done $0x0  }
0x1fa: {  	[sflag:s26] =	ssyncadd.s32 $0xFFFFC000  }
0x1fb: {  	_ =	swait.ge [sflag:s26], $0x4000  }
0x1fc: {  	s1 =	sld [smem:$0x7F9]  }
0x1fd: {  	[sflag:s26] =	ssyncset.done $0x0  }
0x1fe: {  	[sflag:s26] =	ssyncadd.s32 $0xFFFFC000  }
0x1ff: {  	[hbm4b:s1+s6] =	stream.linear.scatter [tilespmem:s13], [sflag:$0x3], $0x4000, $0x38;
	[tilespmem:$0x14FC0] =	vst v63  }
0x200: {  	_ =	swait.ge [sflag:s31], $0x4000  }
0x201: {  	[sflag:s31] =	ssyncset.done $0x0  }
0x202: {  	[sflag:s31] =	ssyncadd.s32 $0xFFFFC000  }
0x203: {  	[tilespmem:s5], [sflag:$0x5] =	stream.indirect.gather.add.f32 [spmem:s2], $0x80, s11, s3, $0xb8;
	[tilespmem:$0x14FC0] =	vst v63  }
0x204: {  	_ = 	snop  }
0x205: {  	[tilespmem:s5], [sflag:$0x5] =	stream.indirect.gather.add.f32 [spmem:s4], $0x80, s10, s3, $0xb8;
	[tilespmem:$0x14FC0] =	vst v63  }
0x206: {  	_ =	swait.ge [sflag:s30], $0x4000  }
0x207: {  	[sflag:s30] =	ssyncset.done $0x0  }
0x208: {  	[sflag:s30] =	ssyncadd.s32 $0xFFFFC000  }
0x209: {  	_ =	swait.ge [sflag:s30], $0x4000  }
0x20a: {  	s24 =	sld [smem:$0x7FA]  }
0x20b: {  	[sflag:s30] =	ssyncset.done $0x0  }
0x20c: {  	[sflag:s30] =	ssyncadd.s32 $0xFFFFC000  }
0x20d: {  	[hbm4b:s24+s6] =	stream.linear.scatter [tilespmem:s21], [sflag:$0x4], $0x4000, $0x38;
	[tilespmem:$0x14FC0] =	vst v63  }
0x20e: {  	_ =	swait.ge [sflag:s31], $0x4000  }
0x20f: {  	[sflag:s31] =	ssyncset.done $0x0  }
0x210: {  	[sflag:s31] =	ssyncadd.s32 $0xFFFFC000  }
0x211: {  	_ =	swait.ge [sflag:s31], $0x4000  }
0x212: {  	s25 =	sld [smem:$0x7FB]  }
0x213: {  	[sflag:s31] =	ssyncset.done $0x0  }
0x214: {  	[sflag:s31] =	ssyncadd.s32 $0xFFFFC000  }
0x215: {  	[hbm4b:s25+s6] =	stream.linear.scatter [tilespmem:s5], [sflag:$0x5], $0x4000, $0x38;
	[tilespmem:$0x14FC0] =	vst v63  }
0x216: {  	_ =	swait.ge [sflag:s14], $0x4000  }
0x217: {  	[sflag:s14] =	ssyncset.done $0x0  }
0x218: {  	[sflag:s14] =	ssyncadd.s32 $0xFFFFC000  }
0x219: {  	_ =	swait.ge [sflag:s20], $0x4000  }
0x21a: {  	[sflag:s20] =	ssyncset.done $0x0  }
0x21b: {  	[sflag:s20] =	ssyncadd.s32 $0xFFFFC000  }
0x21c: {  	_ =	swait.ge [sflag:s26], $0x4000  }
0x21d: {  	[sflag:s26] =	ssyncset.done $0x0  }
0x21e: {  	[sflag:s26] =	ssyncadd.s32 $0xFFFFC000  }
0x21f: {  	_ =	swait.ge [sflag:s30], $0x4000  }
0x220: {  	[sflag:s30] =	ssyncset.done $0x0  }
0x221: {  	[sflag:s30] =	ssyncadd.s32 $0xFFFFC000  }
0x222: {  	_ =	swait.ge [sflag:s31], $0x4000  }
0x223: {  	s28 =	sld [smem:$0x7F0]  }
0x224: {  	s29 =	sld [smem:$0x7FC];
	_ =	sdelay $0x1  }
0x225: {  	s0 =	sadd.s32 $0x1, s28  }
0x226: {  	p1 =	sne.s32 s0, s29  }
.Ltmp1:
0x227: {  	_ = 	snop;
	(pc) =	sbr.rel @p1 .LBB2_1-.Ltmp1, $4  }
0x228: {  	s15 =	simm.s32 $0x500;
	s8 =	simm.s32 $0x100;
	s7 =	simm.s32 $0x380  }
0x229: {  	s12 =	simm.s32 $0x7;
	s18 =	simm.s32 $0x8;
	s17 =	simm.s32 $0x580  }
0x22a: {  	s23 =	simm.s32 $0x600;
	s16 =	simm.s32 $0x300;
	[sflag:s31] =	ssyncset.done $0x0  }
0x22b: {  	s11 =	simm.s32 $0x280;
	s24 =	simm.s32 $0x9;
	[sflag:s31] =	ssyncadd.s32 $0xFFFFC000  }
0x22c: {  	_ =	sfence.sel $0x180000  }
0x22d: {  	[bflag:$0x0] =	sbarrier.arrive $0xFFFF  }
0x22e: {  	_ =	strace $0x90000047  }
0x22f: {  	[bflag:$0x2] =	sbarrier.arrive $0xFFFF  }
0x230: {  	s0 =	rddreg [dreg:$0x7]  }
0x231: {  	s0 =	sadd.s32 @!p0 $0x100000, s0  }
0x232: {  	[sflag:s0] =	ssyncadd.tile.s32 @!p0 $0x1;
	_ =	shalt  }
.Lfunc_end2:
_tile_overlayer_lowered:
.L_overlay_start_2:
0x233: {  	(tag) =	ssettag $0x2  }
0x234: {  	s0 =	rddreg [dreg:$0x0];
	s2 =	stileid.u32  }
0x235: {  	s1 =	rddreg [dreg:$0x1];
	p0 =	sne.s32 s2, $0x0  }
0x236: {  	s3 =	rddreg [dreg:$0x2];
	[bflag:$0x3] =	sbarrier.arrive $0xFFFF;
	s2 =	simm.s32 @!p0 $0x1C0B  }
0x237: {  	[timem:s3], [sflag:s2] =	dma.local @!p0 [hbm:s0], s1  }
0x238: {  	s0 =	simm.s32 @!p0 $0xB  }
0x239: {  	_ =	swait.ge @!p0 [sflag:s0], s1  }
0x23a: {  	s1 =	ssub.s32 @!p0 $0x0, s1;
	[sflag:s0] =	ssyncset.done @!p0 $0x0  }
0x23b: {  	[sflag:s0] =	ssyncadd.s32 @!p0 s1  }
0x23c: {  	[bflag:$0x3] =	sbarrier.arrive $0xFFFF  }
0x23d: {  	_ =	shalt  }

</sc_bundles>
